<compile_context>
chip_gen: v7x
topology: tpu7x:2x2x1
jax: 0.10.2.dev20260603
libtpu: 0.0.44.dev20260713+nightly
codegen_flags: <defaults>
</compile_context>

<pallas_src>
import functools

import jax
import jax.numpy as jnp
from jax import lax
from jax.experimental import pallas as pl
from jax.experimental.pallas import tpu as pltpu
from jax.experimental.pallas import tpu_sc as plsc

D = 128
L = 16
NC, NS = 2, 16
NW = NC * NS
CHUNK = 256


def _tec_kernel(b_dim, n_dim, x_hbm, vv_hbm, kk_hbm, buf, dtab, vv_buf,
                kk_buf, sem_a, sem_b):
    n_rows = b_dim * n_dim
    rows_per_w = n_rows // NW
    n_chunks = rows_per_w // CHUNK
    wid = lax.axis_index("s") * NC + lax.axis_index("c")
    row0 = wid * rows_per_w

    lane = lax.iota(jnp.int32, L)
    sems = (sem_a, sem_b)

    def mk_tab(i, _):
        dtab[pl.ds(i * L, L)] = lax.bitwise_and(lane + i, D - 1)
        return 0

    lax.fori_loop(0, D, mk_tab, 0)

    def dma(ch, slot):
        src = (row0 + ch * CHUNK) * D
        return pltpu.make_async_copy(
            x_hbm.at[pl.ds(src, CHUNK * D)],
            buf.at[pl.ds(slot * CHUNK * D, CHUNK * D)],
            sems[slot])

    dma(0, 0).start()

    def chunk_body(ch, _):
        slot = lax.rem(ch, 2)
        nxt = ch + 1
        even = slot == 0

        @pl.when(even)
        def _():
            dma(ch, 0).wait()

            @pl.when(nxt < n_chunks)
            def _():
                dma(nxt, 1).start()

        @pl.when(jnp.logical_not(even))
        def _():
            dma(ch, 1).wait()

            @pl.when(nxt < n_chunks)
            def _():
                dma(nxt, 0).start()

        boff = slot * (CHUNK * D)

        def do_group(g, _):
            rbase = boff + (g * L + lane) * D
            d0 = dtab[pl.ds(0, L)]
            a0 = plsc.load_gather(buf, [rbase + d0])
            sq0 = a0 * a0
            acc = sq0
            best_sq = sq0
            best_d = d0
            for i in range(1, D):
                dvec = dtab[pl.ds(i * L, L)]
                a = plsc.load_gather(buf, [rbase + dvec])
                sq = a * a
                acc = acc + sq
                gt = sq > best_sq
                best_sq = jnp.where(gt, sq, best_sq)
                best_d = jnp.where(gt, dvec, best_d)
            astar = plsc.load_gather(buf, [rbase + best_d])
            sgn = lax.shift_right_logical(
                lax.bitcast_convert_type(astar, jnp.int32), 31)
            vv = acc + 1.0 - 2.0 * lax.abs(astar)
            kk = best_d + best_d + sgn
            out = ch * CHUNK + g * L
            vv_buf[pl.ds(out, L)] = vv
            kk_buf[pl.ds(out, L)] = kk
            return 0

        lax.fori_loop(0, CHUNK // L, do_group, 0)
        return 0

    lax.fori_loop(0, n_chunks, chunk_body, 0)

    b_idx = lax.div(row0, n_dim)
    jstart = lax.rem(row0, n_dim)
    pltpu.sync_copy(vv_buf, vv_hbm.at[b_idx, pl.ds(jstart, rows_per_w)])
    pltpu.sync_copy(kk_buf, kk_hbm.at[b_idx, pl.ds(jstart, rows_per_w)])


TC_BLK = 256


def _tc_kernel(x_ref, vv_ref, kk_ref):
    nb, blk, d = x_ref.shape
    xb = x_ref[...].reshape(nb * blk, d)
    sq = xb * xb
    m = lax.abs(xb)
    ones = jnp.ones((d, 8), jnp.float32)
    sumsq = jax.lax.dot_general(
        sq, ones, (((1,), (0,)), ((), ())),
        preferred_element_type=jnp.float32)[:, 0]
    maxm = jnp.max(m, axis=1)
    mask = jnp.where(m == maxm[:, None], 1.0, 0.0)
    tril = (lax.broadcasted_iota(jnp.int32, (d, d), 0)
            <= lax.broadcasted_iota(jnp.int32, (d, d), 1)
            ).astype(jnp.float32)
    csum = jax.lax.dot_general(
        mask, tril, (((1,), (0,)), ((), ())),
        preferred_element_type=jnp.float32)
    w = mask * (2.0 - csum)
    kelem = (2.0 * lax.broadcasted_iota(jnp.int32, xb.shape, 1
                                        ).astype(jnp.float32)
             + jnp.where(xb < 0, 1.0, 0.0))
    picked = w * kelem
    kkf = jax.lax.dot_general(
        picked, ones, (((1,), (0,)), ((), ())),
        preferred_element_type=jnp.float32)[:, 0]
    vv = sumsq + 1.0 - 2.0 * maxm
    vv_ref[...] = vv.reshape(nb, blk)
    kk_ref[...] = kkf.astype(jnp.int32).reshape(nb, blk)


def kernel(x, pts):
    del pts
    b, n, d = x.shape
    b_sc = b // 2
    rows_per_w = (b_sc * n) // NW
    mesh = plsc.VectorSubcoreMesh(core_axis_name="c", subcore_axis_name="s")

    run_sc = pl.kernel(
        functools.partial(_tec_kernel, b_sc, n),
        out_type=(
            jax.ShapeDtypeStruct((b, n), jnp.float32),
            jax.ShapeDtypeStruct((b, n), jnp.int32),
        ),
        mesh=mesh,
        compiler_params=pltpu.CompilerParams(
            needs_layout_passes=False,
            use_tc_tiling_on_sc=True,
        ),
        scratch_types=(
            pltpu.VMEM((2 * CHUNK * D,), jnp.float32),
            pltpu.VMEM((D * L,), jnp.int32),
            pltpu.VMEM((rows_per_w,), jnp.float32),
            pltpu.VMEM((rows_per_w,), jnp.int32),
            pltpu.SemaphoreType.DMA,
            pltpu.SemaphoreType.DMA,
        ),
    )
    vv_sc, kk_sc = run_sc(x.reshape(-1))

    b_tc = b - b_sc
    run_tc = pl.pallas_call(
        _tc_kernel,
        grid=(n // TC_BLK,),
        in_specs=[pl.BlockSpec((b_tc, TC_BLK, d), lambda j: (1, j, 0))],
        out_specs=(pl.BlockSpec((b_tc, TC_BLK), lambda j: (0, j)),
                   pl.BlockSpec((b_tc, TC_BLK), lambda j: (0, j))),
        out_shape=(
            jax.ShapeDtypeStruct((b_tc, n), jnp.float32),
            jax.ShapeDtypeStruct((b_tc, n), jnp.int32),
        ),
    )
    vv_tc, kk_tc = run_tc(x)

    mcols = 2048

    def _merge_kernel(va_ref, ka_ref, vt_ref, kt_ref, vv_ref, kk_ref):
        del va_ref, ka_ref
        vv_ref[...] = vt_ref[...]
        kk_ref[...] = kt_ref[...]

    run_merge = pl.pallas_call(
        _merge_kernel,
        grid=(n // mcols,),
        in_specs=[pl.BlockSpec(memory_space=pl.ANY),
                  pl.BlockSpec(memory_space=pl.ANY),
                  pl.BlockSpec((b_tc, mcols), lambda j: (0, j)),
                  pl.BlockSpec((b_tc, mcols), lambda j: (0, j))],
        out_specs=(pl.BlockSpec((b_tc, mcols), lambda j: (1, j)),
                   pl.BlockSpec((b_tc, mcols), lambda j: (1, j))),
        out_shape=(
            jax.ShapeDtypeStruct((b, n), jnp.float32),
            jax.ShapeDtypeStruct((b, n), jnp.int32),
        ),
        input_output_aliases={0: 0, 1: 1},
    )
    return run_merge(vv_sc, kk_sc, vv_tc, kk_tc)

# --- scband reference (transcript-rebuilt; emitter-appended) ---
"""Pipeline reference for scband-simple-v3-2199023256021 (READ-ONLY COPY).

The authoritative reference and input builder live on the scoring server;
editing this copy changes nothing except your own understanding.
"""

import jax, jax.numpy as jnp
import numpy as np

IN_DIM = 128


def _make_pts():
    # Matches torch __init__: for each i, append +e_i then -e_i
    eye = jnp.eye(IN_DIM, dtype=jnp.float32)
    pts = jnp.stack([eye, -eye], axis=1).reshape(2 * IN_DIM, IN_DIM)
    return pts


def setup_inputs(seed: int = 0) -> dict:
    key = jax.random.key(seed)
    x = jax.random.normal(key, (16, 4096, IN_DIM), dtype=jnp.float32)
    pts = _make_pts()
    return {"x": x, "pts": pts}


def reference(x, pts):
    # Faithful translation: for each stable point, squared L2 distance summed
    # over dim=2, stacked along a new leading axis, then min over that axis.
    # lax.map keeps the per-point loop sequential (avoids a [K,B,N,D] blowup).
    vv = jax.lax.map(lambda pt: jnp.sum((x - pt) ** 2, axis=2), pts)  # [2*D, B, N]
    min_vv = jnp.min(vv, axis=0)
    min_index = jnp.argmin(vv, axis=0)
    return (min_vv, min_index)

if __name__ == "__main__":
    import jax
    _d = setup_inputs()
    print(jax.jit(kernel)(*tuple(_d.values())))

</pallas_src>

<mosaic_0001>
#map = affine_map<(d0, d1) -> (0)>
#map1 = affine_map<(d0, d1) -> (0, 0)>
module attributes {stable_mosaic.version = 14 : i64} {
  func.func @_tec_kernel(%arg0: i32, %arg1: i32, %arg2: memref<8388608xf32, #tpu.memory_space<hbm>>, %arg3: memref<16x4096xf32, #tpu.memory_space<hbm>>, %arg4: memref<16x4096xi32, #tpu.memory_space<hbm>>, %arg5: memref<65536xf32, #tpu.memory_space<vmem>>, %arg6: memref<2048xi32, #tpu.memory_space<vmem>>, %arg7: memref<1024xf32, #tpu.memory_space<vmem>>, %arg8: memref<1024xi32, #tpu.memory_space<vmem>>, %arg9: memref<!tpu.dma_semaphore, #tpu.memory_space<semaphore_mem>>, %arg10: memref<!tpu.dma_semaphore, #tpu.memory_space<semaphore_mem>>) attributes {dimension_semantics = [#tpu.dimension_semantics<core_parallel>, #tpu.dimension_semantics<subcore_parallel>], iteration_bounds = array<i64: 2, 16>, scalar_prefetch = 0 : i64, scratch_operands = 6 : i64, tpu.core_type = #tpu.core_type<sc_vector_subcore>, window_params = [{transform_indices = #map}, {transform_indices = #map1}, {transform_indices = #map1}]} {
    %mul3A = arith.constant 2 : i32
    %mul3A_0 = arith.muli %arg1, %mul3A : i32
    %add3A = arith.addi %mul3A_0, %arg0 : i32
    %mul3A_1 = arith.constant 1024 : i32
    %mul3A_2 = arith.muli %add3A, %mul3A_1 : i32
    %iota3A = tpu.iota {dimensions = array<i32: 0>} : vector<16xi32>
    %scan3A = arith.constant 0 : i32
    %scan3A_3 = arith.constant 0 : i32
    %scan3A_4 = arith.constant 128 : i32
    %scan3A_5 = arith.addi %scan3A_3, %scan3A_4 : i32
    %scan3A_6 = arith.constant 1 : i32
    %scan3A_7 = scf.for %scan3A_27 = %scan3A_3 to %scan3A_5 step %scan3A_6 iter_args(%scan3A_28 = %scan3A) -> (i32)  : i32 {
      %add3A_29 = vector.broadcast %scan3A_27 : i32 to vector<16xi32>
      %add3A_30 = arith.addi %iota3A, %add3A_29 : vector<16xi32>
      %and3A = arith.constant 127 : i32
      %and3A_31 = vector.broadcast %and3A : i32 to vector<16xi32>
      %and3A_32 = arith.andi %add3A_30, %and3A_31 : vector<16xi32>
      %mul3A_33 = arith.constant 16 : i32
      %mul3A_34 = arith.muli %scan3A_27, %mul3A_33 : i32
      %swap3A = arith.index_cast %mul3A_34 : i32 to index
      %swap3A_35 = tpu.vector_load %arg6[%swap3A] {strides = array<i32>} : memref<2048xi32, #tpu.memory_space<vmem>>, vector<16xi32>,
      tpu.vector_store %arg6[%swap3A], %and3A_32 {strides = array<i32>} : memref<2048xi32, #tpu.memory_space<vmem>>, vector<16xi32>,
      %scan3A_36 = arith.constant 0 : i32
      scf.yield %scan3A_36 : i32
    }
    %scan3A_8 = arith.constant 128 : i32
    %add3A_9 = arith.constant 0 : i32
    %add3A_10 = arith.addi %mul3A_2, %add3A_9 : i32
    %mul3A_11 = arith.constant 128 : i32
    %mul3A_12 = arith.muli %add3A_10, %mul3A_11 : i32
    %dma_start3A = arith.constant 0 : i32
    %dma_start3A_13 = tpu.memref_slice %arg5[%dma_start3A] : memref<65536xf32, #tpu.memory_space<vmem>> -> memref<32768xf32, #tpu.memory_space<vmem>>
    %dma_start3A_14 = tpu.memref_slice %arg2[%mul3A_12] : memref<8388608xf32, #tpu.memory_space<hbm>> -> memref<32768xf32, #tpu.memory_space<hbm>>
    %dma_start3A_15 = arith.constant 0 : i32
    %dma_start3A_16 = tpu.memref_slice %arg5[%dma_start3A_15] : memref<65536xf32, #tpu.memory_space<vmem>> -> memref<32768xf32, #tpu.memory_space<vmem>>
    %dma_start3A_17 = tpu.memref_slice %arg2[%mul3A_12] : memref<8388608xf32, #tpu.memory_space<hbm>> -> memref<32768xf32, #tpu.memory_space<hbm>>
    tpu.enqueue_dma source(%dma_start3A_17 : memref<32768xf32, #tpu.memory_space<hbm>>) target(%dma_start3A_16 : memref<32768xf32, #tpu.memory_space<vmem>>) target_semaphore(%arg9 : memref<!tpu.dma_semaphore, #tpu.memory_space<semaphore_mem>>)
    %scan3A_18 = arith.constant 0 : i32
    %scan3A_19 = arith.constant 0 : i32
    %scan3A_20 = arith.constant 4 : i32
    %scan3A_21 = arith.addi %scan3A_19, %scan3A_20 : i32
    %scan3A_22 = arith.constant 1 : i32
    %scan3A_23 = scf.for %scan3A_27 = %scan3A_19 to %scan3A_21 step %scan3A_22 iter_args(%scan3A_28 = %scan3A_18) -> (i32)  : i32 {
      %rem3A_29 = arith.constant 2 : i32
      %rem3A_30 = arith.remsi %scan3A_27, %rem3A_29 : i32
      %add3A_31 = arith.constant 1 : i32
      %add3A_32 = arith.addi %scan3A_27, %add3A_31 : i32
      %eq3A = arith.constant 0 : i32
      %eq3A_33 = arith.cmpi eq, %rem3A_30, %eq3A : i32
      %convert_element_type3A = arith.extui %eq3A_33 : i1 to i32
      %cond3A = arith.constant 0 : i32
      %cond3A_34 = arith.cmpi ne, %convert_element_type3A, %cond3A : i32
      scf.if %cond3A_34 {
        %mul3A_49 = arith.constant 256 : i32
        %mul3A_50 = arith.muli %scan3A_27, %mul3A_49 : i32
        %add3A_51 = arith.addi %mul3A_2, %mul3A_50 : i32
        %mul3A_52 = arith.constant 128 : i32
        %mul3A_53 = arith.muli %add3A_51, %mul3A_52 : i32
        %dma_wait3A = arith.constant 0 : i32
        %dma_wait3A_54 = tpu.memref_slice %arg5[%dma_wait3A] : memref<65536xf32, #tpu.memory_space<vmem>> -> memref<32768xf32, #tpu.memory_space<vmem>>
        %dma_wait3A_55 = tpu.memref_slice %arg2[%mul3A_53] : memref<8388608xf32, #tpu.memory_space<hbm>> -> memref<32768xf32, #tpu.memory_space<hbm>>
        %dma_wait3A_56 = arith.constant 0 : i32
        %dma_wait3A_57 = tpu.memref_slice %arg5[%dma_wait3A_56] : memref<65536xf32, #tpu.memory_space<vmem>> -> memref<32768xf32, #tpu.memory_space<vmem>>
        %dma_wait3A_58 = tpu.memref_slice %arg2[%mul3A_53] : memref<8388608xf32, #tpu.memory_space<hbm>> -> memref<32768xf32, #tpu.memory_space<hbm>>
        tpu.wait_dma2 semaphore(%arg9 : memref<!tpu.dma_semaphore, #tpu.memory_space<semaphore_mem>>) src(%dma_wait3A_58 : memref<32768xf32, #tpu.memory_space<hbm>>) dst(%dma_wait3A_57 : memref<32768xf32, #tpu.memory_space<vmem>>)
        %lt3A = arith.constant 4 : i32
        %lt3A_59 = arith.cmpi slt, %add3A_32, %lt3A : i32
        %convert_element_type3A_60 = arith.extui %lt3A_59 : i1 to i32
        %cond3A_61 = arith.constant 0 : i32
        %cond3A_62 = arith.cmpi ne, %convert_element_type3A_60, %cond3A_61 : i32
        scf.if %cond3A_62 {
          %mul3A_63 = arith.constant 256 : i32
          %mul3A_64 = arith.muli %add3A_32, %mul3A_63 : i32
          %add3A_65 = arith.addi %mul3A_2, %mul3A_64 : i32
          %mul3A_66 = arith.constant 128 : i32
          %mul3A_67 = arith.muli %add3A_65, %mul3A_66 : i32
          %dma_start3A_68 = arith.constant 32768 : i32
          %dma_start3A_69 = tpu.memref_slice %arg5[%dma_start3A_68] : memref<65536xf32, #tpu.memory_space<vmem>> -> memref<32768xf32, #tpu.memory_space<vmem>>
          %dma_start3A_70 = tpu.memref_slice %arg2[%mul3A_67] : memref<8388608xf32, #tpu.memory_space<hbm>> -> memref<32768xf32, #tpu.memory_space<hbm>>
          %dma_start3A_71 = arith.constant 32768 : i32
          %dma_start3A_72 = tpu.memref_slice %arg5[%dma_start3A_71] : memref<65536xf32, #tpu.memory_space<vmem>> -> memref<32768xf32, #tpu.memory_space<vmem>>
          %dma_start3A_73 = tpu.memref_slice %arg2[%mul3A_67] : memref<8388608xf32, #tpu.memory_space<hbm>> -> memref<32768xf32, #tpu.memory_space<hbm>>
          tpu.enqueue_dma source(%dma_start3A_73 : memref<32768xf32, #tpu.memory_space<hbm>>) target(%dma_start3A_72 : memref<32768xf32, #tpu.memory_space<vmem>>) target_semaphore(%arg10 : memref<!tpu.dma_semaphore, #tpu.memory_space<semaphore_mem>>)
        } else {
        }
      } else {
      }
      %not3A = arith.constant true
      %not3A_35 = arith.xori %eq3A_33, %not3A : i1
      %convert_element_type3A_36 = arith.extui %not3A_35 : i1 to i32
      %cond3A_37 = arith.constant 0 : i32
      %cond3A_38 = arith.cmpi ne, %convert_element_type3A_36, %cond3A_37 : i32
      scf.if %cond3A_38 {
        %mul3A_49 = arith.constant 256 : i32
        %mul3A_50 = arith.muli %scan3A_27, %mul3A_49 : i32
        %add3A_51 = arith.addi %mul3A_2, %mul3A_50 : i32
        %mul3A_52 = arith.constant 128 : i32
        %mul3A_53 = arith.muli %add3A_51, %mul3A_52 : i32
        %dma_wait3A = arith.constant 32768 : i32
        %dma_wait3A_54 = tpu.memref_slice %arg5[%dma_wait3A] : memref<65536xf32, #tpu.memory_space<vmem>> -> memref<32768xf32, #tpu.memory_space<vmem>>
        %dma_wait3A_55 = tpu.memref_slice %arg2[%mul3A_53] : memref<8388608xf32, #tpu.memory_space<hbm>> -> memref<32768xf32, #tpu.memory_space<hbm>>
        %dma_wait3A_56 = arith.constant 32768 : i32
        %dma_wait3A_57 = tpu.memref_slice %arg5[%dma_wait3A_56] : memref<65536xf32, #tpu.memory_space<vmem>> -> memref<32768xf32, #tpu.memory_space<vmem>>
        %dma_wait3A_58 = tpu.memref_slice %arg2[%mul3A_53] : memref<8388608xf32, #tpu.memory_space<hbm>> -> memref<32768xf32, #tpu.memory_space<hbm>>
        tpu.wait_dma2 semaphore(%arg10 : memref<!tpu.dma_semaphore, #tpu.memory_space<semaphore_mem>>) src(%dma_wait3A_58 : memref<32768xf32, #tpu.memory_space<hbm>>) dst(%dma_wait3A_57 : memref<32768xf32, #tpu.memory_space<vmem>>)
        %lt3A = arith.constant 4 : i32
        %lt3A_59 = arith.cmpi slt, %add3A_32, %lt3A : i32
        %convert_element_type3A_60 = arith.extui %lt3A_59 : i1 to i32
        %cond3A_61 = arith.constant 0 : i32
        %cond3A_62 = arith.cmpi ne, %convert_element_type3A_60, %cond3A_61 : i32
        scf.if %cond3A_62 {
          %mul3A_63 = arith.constant 256 : i32
          %mul3A_64 = arith.muli %add3A_32, %mul3A_63 : i32
          %add3A_65 = arith.addi %mul3A_2, %mul3A_64 : i32
          %mul3A_66 = arith.constant 128 : i32
          %mul3A_67 = arith.muli %add3A_65, %mul3A_66 : i32
          %dma_start3A_68 = arith.constant 0 : i32
          %dma_start3A_69 = tpu.memref_slice %arg5[%dma_start3A_68] : memref<65536xf32, #tpu.memory_space<vmem>> -> memref<32768xf32, #tpu.memory_space<vmem>>
          %dma_start3A_70 = tpu.memref_slice %arg2[%mul3A_67] : memref<8388608xf32, #tpu.memory_space<hbm>> -> memref<32768xf32, #tpu.memory_space<hbm>>
          %dma_start3A_71 = arith.constant 0 : i32
          %dma_start3A_72 = tpu.memref_slice %arg5[%dma_start3A_71] : memref<65536xf32, #tpu.memory_space<vmem>> -> memref<32768xf32, #tpu.memory_space<vmem>>
          %dma_start3A_73 = tpu.memref_slice %arg2[%mul3A_67] : memref<8388608xf32, #tpu.memory_space<hbm>> -> memref<32768xf32, #tpu.memory_space<hbm>>
          tpu.enqueue_dma source(%dma_start3A_73 : memref<32768xf32, #tpu.memory_space<hbm>>) target(%dma_start3A_72 : memref<32768xf32, #tpu.memory_space<vmem>>) target_semaphore(%arg9 : memref<!tpu.dma_semaphore, #tpu.memory_space<semaphore_mem>>)
        } else {
        }
      } else {
      }
      %mul3A_39 = arith.constant 32768 : i32
      %mul3A_40 = arith.muli %rem3A_30, %mul3A_39 : i32
      %scan3A_41 = arith.constant 0 : i32
      %scan3A_42 = arith.constant 0 : i32
      %scan3A_43 = arith.constant 16 : i32
      %scan3A_44 = arith.addi %scan3A_42, %scan3A_43 : i32
      %scan3A_45 = arith.constant 1 : i32
      %scan3A_46 = scf.for %scan3A_49 = %scan3A_42 to %scan3A_44 step %scan3A_45 iter_args(%scan3A_50 = %scan3A_41) -> (i32)  : i32 {
        %mul3A_51 = arith.constant 16 : i32
        %mul3A_52 = arith.muli %scan3A_49, %mul3A_51 : i32
        %add3A_53 = vector.broadcast %mul3A_52 : i32 to vector<16xi32>
        %add3A_54 = arith.addi %add3A_53, %iota3A : vector<16xi32>
        %mul3A_55 = arith.constant 128 : i32
        %mul3A_56 = vector.broadcast %mul3A_55 : i32 to vector<16xi32>
        %mul3A_57 = arith.muli %add3A_54, %mul3A_56 : vector<16xi32>
        %add3A_58 = vector.broadcast %mul3A_40 : i32 to vector<16xi32>
        %add3A_59 = arith.addi %add3A_58, %mul3A_57 : vector<16xi32>
        %get3A = arith.constant 0 : index
        %get3A_60 = tpu.vector_load %arg6[%get3A] {strides = array<i32>} : memref<2048xi32, #tpu.memory_space<vmem>>, vector<16xi32>,
        %add3A_61 = arith.addi %add3A_59, %get3A_60 : vector<16xi32>
        %gather3A = tpu.vector_load_idx %arg5[%add3A_61] : memref<65536xf32, #tpu.memory_space<vmem>>[vector<16xi32>], vector<16xf32>,
        %mul3A_62 = arith.mulf %gather3A, %gather3A : vector<16xf32>
        %get3A_63 = arith.constant 16 : index
        %get3A_64 = tpu.vector_load %arg6[%get3A_63] {strides = array<i32>} : memref<2048xi32, #tpu.memory_space<vmem>>, vector<16xi32>,
        %add3A_65 = arith.addi %add3A_59, %get3A_64 : vector<16xi32>
        %gather3A_66 = tpu.vector_load_idx %arg5[%add3A_65] : memref<65536xf32, #tpu.memory_space<vmem>>[vector<16xi32>], vector<16xf32>,
        %mul3A_67 = arith.mulf %gather3A_66, %gather3A_66 : vector<16xf32>
        %add3A_68 = arith.addf %mul3A_62, %mul3A_67 : vector<16xf32>
        %gt3A = arith.cmpf ogt, %mul3A_67, %mul3A_62 : vector<16xf32>
        %select_n3A = arith.select %gt3A, %mul3A_67, %mul3A_62 : vector<16xi1>, vector<16xf32>
        %select_n3A_69 = arith.select %gt3A, %get3A_64, %get3A_60 : vector<16xi1>, vector<16xi32>
        %get3A_70 = arith.constant 32 : index
        %get3A_71 = tpu.vector_load %arg6[%get3A_70] {strides = array<i32>} : memref<2048xi32, #tpu.memory_space<vmem>>, vector<16xi32>,
        %add3A_72 = arith.addi %add3A_59, %get3A_71 : vector<16xi32>
        %gather3A_73 = tpu.vector_load_idx %arg5[%add3A_72] : memref<65536xf32, #tpu.memory_space<vmem>>[vector<16xi32>], vector<16xf32>,
        %mul3A_74 = arith.mulf %gather3A_73, %gather3A_73 : vector<16xf32>
        %add3A_75 = arith.addf %add3A_68, %mul3A_74 : vector<16xf32>
        %gt3A_76 = arith.cmpf ogt, %mul3A_74, %select_n3A : vector<16xf32>
        %select_n3A_77 = arith.select %gt3A_76, %mul3A_74, %select_n3A : vector<16xi1>, vector<16xf32>
        %select_n3A_78 = arith.select %gt3A_76, %get3A_71, %select_n3A_69 : vector<16xi1>, vector<16xi32>
        %get3A_79 = arith.constant 48 : index
        %get3A_80 = tpu.vector_load %arg6[%get3A_79] {strides = array<i32>} : memref<2048xi32, #tpu.memory_space<vmem>>, vector<16xi32>,
        %add3A_81 = arith.addi %add3A_59, %get3A_80 : vector<16xi32>
        %gather3A_82 = tpu.vector_load_idx %arg5[%add3A_81] : memref<65536xf32, #tpu.memory_space<vmem>>[vector<16xi32>], vector<16xf32>,
        %mul3A_83 = arith.mulf %gather3A_82, %gather3A_82 : vector<16xf32>
        %add3A_84 = arith.addf %add3A_75, %mul3A_83 : vector<16xf32>
        %gt3A_85 = arith.cmpf ogt, %mul3A_83, %select_n3A_77 : vector<16xf32>
        %select_n3A_86 = arith.select %gt3A_85, %mul3A_83, %select_n3A_77 : vector<16xi1>, vector<16xf32>
        %select_n3A_87 = arith.select %gt3A_85, %get3A_80, %select_n3A_78 : vector<16xi1>, vector<16xi32>
        %get3A_88 = arith.constant 64 : index
        %get3A_89 = tpu.vector_load %arg6[%get3A_88] {strides = array<i32>} : memref<2048xi32, #tpu.memory_space<vmem>>, vector<16xi32>,
        %add3A_90 = arith.addi %add3A_59, %get3A_89 : vector<16xi32>
        %gather3A_91 = tpu.vector_load_idx %arg5[%add3A_90] : memref<65536xf32, #tpu.memory_space<vmem>>[vector<16xi32>], vector<16xf32>,
        %mul3A_92 = arith.mulf %gather3A_91, %gather3A_91 : vector<16xf32>
        %add3A_93 = arith.addf %add3A_84, %mul3A_92 : vector<16xf32>
        %gt3A_94 = arith.cmpf ogt, %mul3A_92, %select_n3A_86 : vector<16xf32>
        %select_n3A_95 = arith.select %gt3A_94, %mul3A_92, %select_n3A_86 : vector<16xi1>, vector<16xf32>
        %select_n3A_96 = arith.select %gt3A_94, %get3A_89, %select_n3A_87 : vector<16xi1>, vector<16xi32>
        %get3A_97 = arith.constant 80 : index
        %get3A_98 = tpu.vector_load %arg6[%get3A_97] {strides = array<i32>} : memref<2048xi32, #tpu.memory_space<vmem>>, vector<16xi32>,
        %add3A_99 = arith.addi %add3A_59, %get3A_98 : vector<16xi32>
        %gather3A_100 = tpu.vector_load_idx %arg5[%add3A_99] : memref<65536xf32, #tpu.memory_space<vmem>>[vector<16xi32>], vector<16xf32>,
        %mul3A_101 = arith.mulf %gather3A_100, %gather3A_100 : vector<16xf32>
        %add3A_102 = arith.addf %add3A_93, %mul3A_101 : vector<16xf32>
        %gt3A_103 = arith.cmpf ogt, %mul3A_101, %select_n3A_95 : vector<16xf32>
        %select_n3A_104 = arith.select %gt3A_103, %mul3A_101, %select_n3A_95 : vector<16xi1>, vector<16xf32>
        %select_n3A_105 = arith.select %gt3A_103, %get3A_98, %select_n3A_96 : vector<16xi1>, vector<16xi32>
        %get3A_106 = arith.constant 96 : index
        %get3A_107 = tpu.vector_load %arg6[%get3A_106] {strides = array<i32>} : memref<2048xi32, #tpu.memory_space<vmem>>, vector<16xi32>,
        %add3A_108 = arith.addi %add3A_59, %get3A_107 : vector<16xi32>
        %gather3A_109 = tpu.vector_load_idx %arg5[%add3A_108] : memref<65536xf32, #tpu.memory_space<vmem>>[vector<16xi32>], vector<16xf32>,
        %mul3A_110 = arith.mulf %gather3A_109, %gather3A_109 : vector<16xf32>
        %add3A_111 = arith.addf %add3A_102, %mul3A_110 : vector<16xf32>
        %gt3A_112 = arith.cmpf ogt, %mul3A_110, %select_n3A_104 : vector<16xf32>
        %select_n3A_113 = arith.select %gt3A_112, %mul3A_110, %select_n3A_104 : vector<16xi1>, vector<16xf32>
        %select_n3A_114 = arith.select %gt3A_112, %get3A_107, %select_n3A_105 : vector<16xi1>, vector<16xi32>
        %get3A_115 = arith.constant 112 : index
        %get3A_116 = tpu.vector_load %arg6[%get3A_115] {strides = array<i32>} : memref<2048xi32, #tpu.memory_space<vmem>>, vector<16xi32>,
        %add3A_117 = arith.addi %add3A_59, %get3A_116 : vector<16xi32>
        %gather3A_118 = tpu.vector_load_idx %arg5[%add3A_117] : memref<65536xf32, #tpu.memory_space<vmem>>[vector<16xi32>], vector<16xf32>,
        %mul3A_119 = arith.mulf %gather3A_118, %gather3A_118 : vector<16xf32>
        %add3A_120 = arith.addf %add3A_111, %mul3A_119 : vector<16xf32>
        %gt3A_121 = arith.cmpf ogt, %mul3A_119, %select_n3A_113 : vector<16xf32>
        %select_n3A_122 = arith.select %gt3A_121, %mul3A_119, %select_n3A_113 : vector<16xi1>, vector<16xf32>
        %select_n3A_123 = arith.select %gt3A_121, %get3A_116, %select_n3A_114 : vector<16xi1>, vector<16xi32>
        %get3A_124 = arith.constant 128 : index
        %get3A_125 = tpu.vector_load %arg6[%get3A_124] {strides = array<i32>} : memref<2048xi32, #tpu.memory_space<vmem>>, vector<16xi32>,
        %add3A_126 = arith.addi %add3A_59, %get3A_125 : vector<16xi32>
        %gather3A_127 = tpu.vector_load_idx %arg5[%add3A_126] : memref<65536xf32, #tpu.memory_space<vmem>>[vector<16xi32>], vector<16xf32>,
        %mul3A_128 = arith.mulf %gather3A_127, %gather3A_127 : vector<16xf32>
        %add3A_129 = arith.addf %add3A_120, %mul3A_128 : vector<16xf32>
        %gt3A_130 = arith.cmpf ogt, %mul3A_128, %select_n3A_122 : vector<16xf32>
        %select_n3A_131 = arith.select %gt3A_130, %mul3A_128, %select_n3A_122 : vector<16xi1>, vector<16xf32>
        %select_n3A_132 = arith.select %gt3A_130, %get3A_125, %select_n3A_123 : vector<16xi1>, vector<16xi32>
        %get3A_133 = arith.constant 144 : index
        %get3A_134 = tpu.vector_load %arg6[%get3A_133] {strides = array<i32>} : memref<2048xi32, #tpu.memory_space<vmem>>, vector<16xi32>,
        %add3A_135 = arith.addi %add3A_59, %get3A_134 : vector<16xi32>
        %gather3A_136 = tpu.vector_load_idx %arg5[%add3A_135] : memref<65536xf32, #tpu.memory_space<vmem>>[vector<16xi32>], vector<16xf32>,
        %mul3A_137 = arith.mulf %gather3A_136, %gather3A_136 : vector<16xf32>
        %add3A_138 = arith.addf %add3A_129, %mul3A_137 : vector<16xf32>
        %gt3A_139 = arith.cmpf ogt, %mul3A_137, %select_n3A_131 : vector<16xf32>
        %select_n3A_140 = arith.select %gt3A_139, %mul3A_137, %select_n3A_131 : vector<16xi1>, vector<16xf32>
        %select_n3A_141 = arith.select %gt3A_139, %get3A_134, %select_n3A_132 : vector<16xi1>, vector<16xi32>
        %get3A_142 = arith.constant 160 : index
        %get3A_143 = tpu.vector_load %arg6[%get3A_142] {strides = array<i32>} : memref<2048xi32, #tpu.memory_space<vmem>>, vector<16xi32>,
        %add3A_144 = arith.addi %add3A_59, %get3A_143 : vector<16xi32>
        %gather3A_145 = tpu.vector_load_idx %arg5[%add3A_144] : memref<65536xf32, #tpu.memory_space<vmem>>[vector<16xi32>], vector<16xf32>,
        %mul3A_146 = arith.mulf %gather3A_145, %gather3A_145 : vector<16xf32>
        %add3A_147 = arith.addf %add3A_138, %mul3A_146 : vector<16xf32>
        %gt3A_148 = arith.cmpf ogt, %mul3A_146, %select_n3A_140 : vector<16xf32>
        %select_n3A_149 = arith.select %gt3A_148, %mul3A_146, %select_n3A_140 : vector<16xi1>, vector<16xf32>
        %select_n3A_150 = arith.select %gt3A_148, %get3A_143, %select_n3A_141 : vector<16xi1>, vector<16xi32>
        %get3A_151 = arith.constant 176 : index
        %get3A_152 = tpu.vector_load %arg6[%get3A_151] {strides = array<i32>} : memref<2048xi32, #tpu.memory_space<vmem>>, vector<16xi32>,
        %add3A_153 = arith.addi %add3A_59, %get3A_152 : vector<16xi32>
        %gather3A_154 = tpu.vector_load_idx %arg5[%add3A_153] : memref<65536xf32, #tpu.memory_space<vmem>>[vector<16xi32>], vector<16xf32>,
        %mul3A_155 = arith.mulf %gather3A_154, %gather3A_154 : vector<16xf32>
        %add3A_156 = arith.addf %add3A_147, %mul3A_155 : vector<16xf32>
        %gt3A_157 = arith.cmpf ogt, %mul3A_155, %select_n3A_149 : vector<16xf32>
        %select_n3A_158 = arith.select %gt3A_157, %mul3A_155, %select_n3A_149 : vector<16xi1>, vector<16xf32>
        %select_n3A_159 = arith.select %gt3A_157, %get3A_152, %select_n3A_150 : vector<16xi1>, vector<16xi32>
        %get3A_160 = arith.constant 192 : index
        %get3A_161 = tpu.vector_load %arg6[%get3A_160] {strides = array<i32>} : memref<2048xi32, #tpu.memory_space<vmem>>, vector<16xi32>,
        %add3A_162 = arith.addi %add3A_59, %get3A_161 : vector<16xi32>
        %gather3A_163 = tpu.vector_load_idx %arg5[%add3A_162] : memref<65536xf32, #tpu.memory_space<vmem>>[vector<16xi32>], vector<16xf32>,
        %mul3A_164 = arith.mulf %gather3A_163, %gather3A_163 : vector<16xf32>
        %add3A_165 = arith.addf %add3A_156, %mul3A_164 : vector<16xf32>
        %gt3A_166 = arith.cmpf ogt, %mul3A_164, %select_n3A_158 : vector<16xf32>
        %select_n3A_167 = arith.select %gt3A_166, %mul3A_164, %select_n3A_158 : vector<16xi1>, vector<16xf32>
        %select_n3A_168 = arith.select %gt3A_166, %get3A_161, %select_n3A_159 : vector<16xi1>, vector<16xi32>
        %get3A_169 = arith.constant 208 : index
        %get3A_170 = tpu.vector_load %arg6[%get3A_169] {strides = array<i32>} : memref<2048xi32, #tpu.memory_space<vmem>>, vector<16xi32>,
        %add3A_171 = arith.addi %add3A_59, %get3A_170 : vector<16xi32>
        %gather3A_172 = tpu.vector_load_idx %arg5[%add3A_171] : memref<65536xf32, #tpu.memory_space<vmem>>[vector<16xi32>], vector<16xf32>,
        %mul3A_173 = arith.mulf %gather3A_172, %gather3A_172 : vector<16xf32>
        %add3A_174 = arith.addf %add3A_165, %mul3A_173 : vector<16xf32>
        %gt3A_175 = arith.cmpf ogt, %mul3A_173, %select_n3A_167 : vector<16xf32>
        %select_n3A_176 = arith.select %gt3A_175, %mul3A_173, %select_n3A_167 : vector<16xi1>, vector<16xf32>
        %select_n3A_177 = arith.select %gt3A_175, %get3A_170, %select_n3A_168 : vector<16xi1>, vector<16xi32>
        %get3A_178 = arith.constant 224 : index
        %get3A_179 = tpu.vector_load %arg6[%get3A_178] {strides = array<i32>} : memref<2048xi32, #tpu.memory_space<vmem>>, vector<16xi32>,
        %add3A_180 = arith.addi %add3A_59, %get3A_179 : vector<16xi32>
        %gather3A_181 = tpu.vector_load_idx %arg5[%add3A_180] : memref<65536xf32, #tpu.memory_space<vmem>>[vector<16xi32>], vector<16xf32>,
        %mul3A_182 = arith.mulf %gather3A_181, %gather3A_181 : vector<16xf32>
        %add3A_183 = arith.addf %add3A_174, %mul3A_182 : vector<16xf32>
        %gt3A_184 = arith.cmpf ogt, %mul3A_182, %select_n3A_176 : vector<16xf32>
        %select_n3A_185 = arith.select %gt3A_184, %mul3A_182, %select_n3A_176 : vector<16xi1>, vector<16xf32>
        %select_n3A_186 = arith.select %gt3A_184, %get3A_179, %select_n3A_177 : vector<16xi1>, vector<16xi32>
        %get3A_187 = arith.constant 240 : index
        %get3A_188 = tpu.vector_load %arg6[%get3A_187] {strides = array<i32>} : memref<2048xi32, #tpu.memory_space<vmem>>, vector<16xi32>,
        %add3A_189 = arith.addi %add3A_59, %get3A_188 : vector<16xi32>
        %gather3A_190 = tpu.vector_load_idx %arg5[%add3A_189] : memref<65536xf32, #tpu.memory_space<vmem>>[vector<16xi32>], vector<16xf32>,
        %mul3A_191 = arith.mulf %gather3A_190, %gather3A_190 : vector<16xf32>
        %add3A_192 = arith.addf %add3A_183, %mul3A_191 : vector<16xf32>
        %gt3A_193 = arith.cmpf ogt, %mul3A_191, %select_n3A_185 : vector<16xf32>
        %select_n3A_194 = arith.select %gt3A_193, %mul3A_191, %select_n3A_185 : vector<16xi1>, vector<16xf32>
        %select_n3A_195 = arith.select %gt3A_193, %get3A_188, %select_n3A_186 : vector<16xi1>, vector<16xi32>
        %get3A_196 = arith.constant 256 : index
        %get3A_197 = tpu.vector_load %arg6[%get3A_196] {strides = array<i32>} : memref<2048xi32, #tpu.memory_space<vmem>>, vector<16xi32>,
        %add3A_198 = arith.addi %add3A_59, %get3A_197 : vector<16xi32>
        %gather3A_199 = tpu.vector_load_idx %arg5[%add3A_198] : memref<65536xf32, #tpu.memory_space<vmem>>[vector<16xi32>], vector<16xf32>,
        %mul3A_200 = arith.mulf %gather3A_199, %gather3A_199 : vector<16xf32>
        %add3A_201 = arith.addf %add3A_192, %mul3A_200 : vector<16xf32>
        %gt3A_202 = arith.cmpf ogt, %mul3A_200, %select_n3A_194 : vector<16xf32>
        %select_n3A_203 = arith.select %gt3A_202, %mul3A_200, %select_n3A_194 : vector<16xi1>, vector<16xf32>
        %select_n3A_204 = arith.select %gt3A_202, %get3A_197, %select_n3A_195 : vector<16xi1>, vector<16xi32>
        %get3A_205 = arith.constant 272 : index
        %get3A_206 = tpu.vector_load %arg6[%get3A_205] {strides = array<i32>} : memref<2048xi32, #tpu.memory_space<vmem>>, vector<16xi32>,
        %add3A_207 = arith.addi %add3A_59, %get3A_206 : vector<16xi32>
        %gather3A_208 = tpu.vector_load_idx %arg5[%add3A_207] : memref<65536xf32, #tpu.memory_space<vmem>>[vector<16xi32>], vector<16xf32>,
        %mul3A_209 = arith.mulf %gather3A_208, %gather3A_208 : vector<16xf32>
        %add3A_210 = arith.addf %add3A_201, %mul3A_209 : vector<16xf32>
        %gt3A_211 = arith.cmpf ogt, %mul3A_209, %select_n3A_203 : vector<16xf32>
        %select_n3A_212 = arith.select %gt3A_211, %mul3A_209, %select_n3A_203 : vector<16xi1>, vector<16xf32>
        %select_n3A_213 = arith.select %gt3A_211, %get3A_206, %select_n3A_204 : vector<16xi1>, vector<16xi32>
        %get3A_214 = arith.constant 288 : index
        %get3A_215 = tpu.vector_load %arg6[%get3A_214] {strides = array<i32>} : memref<2048xi32, #tpu.memory_space<vmem>>, vector<16xi32>,
        %add3A_216 = arith.addi %add3A_59, %get3A_215 : vector<16xi32>
        %gather3A_217 = tpu.vector_load_idx %arg5[%add3A_216] : memref<65536xf32, #tpu.memory_space<vmem>>[vector<16xi32>], vector<16xf32>,
        %mul3A_218 = arith.mulf %gather3A_217, %gather3A_217 : vector<16xf32>
        %add3A_219 = arith.addf %add3A_210, %mul3A_218 : vector<16xf32>
        %gt3A_220 = arith.cmpf ogt, %mul3A_218, %select_n3A_212 : vector<16xf32>
        %select_n3A_221 = arith.select %gt3A_220, %mul3A_218, %select_n3A_212 : vector<16xi1>, vector<16xf32>
        %select_n3A_222 = arith.select %gt3A_220, %get3A_215, %select_n3A_213 : vector<16xi1>, vector<16xi32>
        %get3A_223 = arith.constant 304 : index
        %get3A_224 = tpu.vector_load %arg6[%get3A_223] {strides = array<i32>} : memref<2048xi32, #tpu.memory_space<vmem>>, vector<16xi32>,
        %add3A_225 = arith.addi %add3A_59, %get3A_224 : vector<16xi32>
        %gather3A_226 = tpu.vector_load_idx %arg5[%add3A_225] : memref<65536xf32, #tpu.memory_space<vmem>>[vector<16xi32>], vector<16xf32>,
        %mul3A_227 = arith.mulf %gather3A_226, %gather3A_226 : vector<16xf32>
        %add3A_228 = arith.addf %add3A_219, %mul3A_227 : vector<16xf32>
        %gt3A_229 = arith.cmpf ogt, %mul3A_227, %select_n3A_221 : vector<16xf32>
        %select_n3A_230 = arith.select %gt3A_229, %mul3A_227, %select_n3A_221 : vector<16xi1>, vector<16xf32>
        %select_n3A_231 = arith.select %gt3A_229, %get3A_224, %select_n3A_222 : vector<16xi1>, vector<16xi32>
        %get3A_232 = arith.constant 320 : index
        %get3A_233 = tpu.vector_load %arg6[%get3A_232] {strides = array<i32>} : memref<2048xi32, #tpu.memory_space<vmem>>, vector<16xi32>,
        %add3A_234 = arith.addi %add3A_59, %get3A_233 : vector<16xi32>
        %gather3A_235 = tpu.vector_load_idx %arg5[%add3A_234] : memref<65536xf32, #tpu.memory_space<vmem>>[vector<16xi32>], vector<16xf32>,
        %mul3A_236 = arith.mulf %gather3A_235, %gather3A_235 : vector<16xf32>
        %add3A_237 = arith.addf %add3A_228, %mul3A_236 : vector<16xf32>
        %gt3A_238 = arith.cmpf ogt, %mul3A_236, %select_n3A_230 : vector<16xf32>
        %select_n3A_239 = arith.select %gt3A_238, %mul3A_236, %select_n3A_230 : vector<16xi1>, vector<16xf32>
        %select_n3A_240 = arith.select %gt3A_238, %get3A_233, %select_n3A_231 : vector<16xi1>, vector<16xi32>
        %get3A_241 = arith.constant 336 : index
        %get3A_242 = tpu.vector_load %arg6[%get3A_241] {strides = array<i32>} : memref<2048xi32, #tpu.memory_space<vmem>>, vector<16xi32>,
        %add3A_243 = arith.addi %add3A_59, %get3A_242 : vector<16xi32>
        %gather3A_244 = tpu.vector_load_idx %arg5[%add3A_243] : memref<65536xf32, #tpu.memory_space<vmem>>[vector<16xi32>], vector<16xf32>,
        %mul3A_245 = arith.mulf %gather3A_244, %gather3A_244 : vector<16xf32>
        %add3A_246 = arith.addf %add3A_237, %mul3A_245 : vector<16xf32>
        %gt3A_247 = arith.cmpf ogt, %mul3A_245, %select_n3A_239 : vector<16xf32>
        %select_n3A_248 = arith.select %gt3A_247, %mul3A_245, %select_n3A_239 : vector<16xi1>, vector<16xf32>
        %select_n3A_249 = arith.select %gt3A_247, %get3A_242, %select_n3A_240 : vector<16xi1>, vector<16xi32>
        %get3A_250 = arith.constant 352 : index
        %get3A_251 = tpu.vector_load %arg6[%get3A_250] {strides = array<i32>} : memref<2048xi32, #tpu.memory_space<vmem>>, vector<16xi32>,
        %add3A_252 = arith.addi %add3A_59, %get3A_251 : vector<16xi32>
        %gather3A_253 = tpu.vector_load_idx %arg5[%add3A_252] : memref<65536xf32, #tpu.memory_space<vmem>>[vector<16xi32>], vector<16xf32>,
        %mul3A_254 = arith.mulf %gather3A_253, %gather3A_253 : vector<16xf32>
        %add3A_255 = arith.addf %add3A_246, %mul3A_254 : vector<16xf32>
        %gt3A_256 = arith.cmpf ogt, %mul3A_254, %select_n3A_248 : vector<16xf32>
        %select_n3A_257 = arith.select %gt3A_256, %mul3A_254, %select_n3A_248 : vector<16xi1>, vector<16xf32>
        %select_n3A_258 = arith.select %gt3A_256, %get3A_251, %select_n3A_249 : vector<16xi1>, vector<16xi32>
        %get3A_259 = arith.constant 368 : index
        %get3A_260 = tpu.vector_load %arg6[%get3A_259] {strides = array<i32>} : memref<2048xi32, #tpu.memory_space<vmem>>, vector<16xi32>,
        %add3A_261 = arith.addi %add3A_59, %get3A_260 : vector<16xi32>
        %gather3A_262 = tpu.vector_load_idx %arg5[%add3A_261] : memref<65536xf32, #tpu.memory_space<vmem>>[vector<16xi32>], vector<16xf32>,
        %mul3A_263 = arith.mulf %gather3A_262, %gather3A_262 : vector<16xf32>
        %add3A_264 = arith.addf %add3A_255, %mul3A_263 : vector<16xf32>
        %gt3A_265 = arith.cmpf ogt, %mul3A_263, %select_n3A_257 : vector<16xf32>
        %select_n3A_266 = arith.select %gt3A_265, %mul3A_263, %select_n3A_257 : vector<16xi1>, vector<16xf32>
        %select_n3A_267 = arith.select %gt3A_265, %get3A_260, %select_n3A_258 : vector<16xi1>, vector<16xi32>
        %get3A_268 = arith.constant 384 : index
        %get3A_269 = tpu.vector_load %arg6[%get3A_268] {strides = array<i32>} : memref<2048xi32, #tpu.memory_space<vmem>>, vector<16xi32>,
        %add3A_270 = arith.addi %add3A_59, %get3A_269 : vector<16xi32>
        %gather3A_271 = tpu.vector_load_idx %arg5[%add3A_270] : memref<65536xf32, #tpu.memory_space<vmem>>[vector<16xi32>], vector<16xf32>,
        %mul3A_272 = arith.mulf %gather3A_271, %gather3A_271 : vector<16xf32>
        %add3A_273 = arith.addf %add3A_264, %mul3A_272 : vector<16xf32>
        %gt3A_274 = arith.cmpf ogt, %mul3A_272, %select_n3A_266 : vector<16xf32>
        %select_n3A_275 = arith.select %gt3A_274, %mul3A_272, %select_n3A_266 : vector<16xi1>, vector<16xf32>
        %select_n3A_276 = arith.select %gt3A_274, %get3A_269, %select_n3A_267 : vector<16xi1>, vector<16xi32>
        %get3A_277 = arith.constant 400 : index
        %get3A_278 = tpu.vector_load %arg6[%get3A_277] {strides = array<i32>} : memref<2048xi32, #tpu.memory_space<vmem>>, vector<16xi32>,
        %add3A_279 = arith.addi %add3A_59, %get3A_278 : vector<16xi32>
        %gather3A_280 = tpu.vector_load_idx %arg5[%add3A_279] : memref<65536xf32, #tpu.memory_space<vmem>>[vector<16xi32>], vector<16xf32>,
        %mul3A_281 = arith.mulf %gather3A_280, %gather3A_280 : vector<16xf32>
        %add3A_282 = arith.addf %add3A_273, %mul3A_281 : vector<16xf32>
        %gt3A_283 = arith.cmpf ogt, %mul3A_281, %select_n3A_275 : vector<16xf32>
        %select_n3A_284 = arith.select %gt3A_283, %mul3A_281, %select_n3A_275 : vector<16xi1>, vector<16xf32>
        %select_n3A_285 = arith.select %gt3A_283, %get3A_278, %select_n3A_276 : vector<16xi1>, vector<16xi32>
        %get3A_286 = arith.constant 416 : index
        %get3A_287 = tpu.vector_load %arg6[%get3A_286] {strides = array<i32>} : memref<2048xi32, #tpu.memory_space<vmem>>, vector<16xi32>,
        %add3A_288 = arith.addi %add3A_59, %get3A_287 : vector<16xi32>
        %gather3A_289 = tpu.vector_load_idx %arg5[%add3A_288] : memref<65536xf32, #tpu.memory_space<vmem>>[vector<16xi32>], vector<16xf32>,
        %mul3A_290 = arith.mulf %gather3A_289, %gather3A_289 : vector<16xf32>
        %add3A_291 = arith.addf %add3A_282, %mul3A_290 : vector<16xf32>
        %gt3A_292 = arith.cmpf ogt, %mul3A_290, %select_n3A_284 : vector<16xf32>
        %select_n3A_293 = arith.select %gt3A_292, %mul3A_290, %select_n3A_284 : vector<16xi1>, vector<16xf32>
        %select_n3A_294 = arith.select %gt3A_292, %get3A_287, %select_n3A_285 : vector<16xi1>, vector<16xi32>
        %get3A_295 = arith.constant 432 : index
        %get3A_296 = tpu.vector_load %arg6[%get3A_295] {strides = array<i32>} : memref<2048xi32, #tpu.memory_space<vmem>>, vector<16xi32>,
        %add3A_297 = arith.addi %add3A_59, %get3A_296 : vector<16xi32>
        %gather3A_298 = tpu.vector_load_idx %arg5[%add3A_297] : memref<65536xf32, #tpu.memory_space<vmem>>[vector<16xi32>], vector<16xf32>,
        %mul3A_299 = arith.mulf %gather3A_298, %gather3A_298 : vector<16xf32>
        %add3A_300 = arith.addf %add3A_291, %mul3A_299 : vector<16xf32>
        %gt3A_301 = arith.cmpf ogt, %mul3A_299, %select_n3A_293 : vector<16xf32>
        %select_n3A_302 = arith.select %gt3A_301, %mul3A_299, %select_n3A_293 : vector<16xi1>, vector<16xf32>
        %select_n3A_303 = arith.select %gt3A_301, %get3A_296, %select_n3A_294 : vector<16xi1>, vector<16xi32>
        %get3A_304 = arith.constant 448 : index
        %get3A_305 = tpu.vector_load %arg6[%get3A_304] {strides = array<i32>} : memref<2048xi32, #tpu.memory_space<vmem>>, vector<16xi32>,
        %add3A_306 = arith.addi %add3A_59, %get3A_305 : vector<16xi32>
        %gather3A_307 = tpu.vector_load_idx %arg5[%add3A_306] : memref<65536xf32, #tpu.memory_space<vmem>>[vector<16xi32>], vector<16xf32>,
        %mul3A_308 = arith.mulf %gather3A_307, %gather3A_307 : vector<16xf32>
        %add3A_309 = arith.addf %add3A_300, %mul3A_308 : vector<16xf32>
        %gt3A_310 = arith.cmpf ogt, %mul3A_308, %select_n3A_302 : vector<16xf32>
        %select_n3A_311 = arith.select %gt3A_310, %mul3A_308, %select_n3A_302 : vector<16xi1>, vector<16xf32>
        %select_n3A_312 = arith.select %gt3A_310, %get3A_305, %select_n3A_303 : vector<16xi1>, vector<16xi32>
        %get3A_313 = arith.constant 464 : index
        %get3A_314 = tpu.vector_load %arg6[%get3A_313] {strides = array<i32>} : memref<2048xi32, #tpu.memory_space<vmem>>, vector<16xi32>,
        %add3A_315 = arith.addi %add3A_59, %get3A_314 : vector<16xi32>
        %gather3A_316 = tpu.vector_load_idx %arg5[%add3A_315] : memref<65536xf32, #tpu.memory_space<vmem>>[vector<16xi32>], vector<16xf32>,
        %mul3A_317 = arith.mulf %gather3A_316, %gather3A_316 : vector<16xf32>
        %add3A_318 = arith.addf %add3A_309, %mul3A_317 : vector<16xf32>
        %gt3A_319 = arith.cmpf ogt, %mul3A_317, %select_n3A_311 : vector<16xf32>
        %select_n3A_320 = arith.select %gt3A_319, %mul3A_317, %select_n3A_311 : vector<16xi1>, vector<16xf32>
        %select_n3A_321 = arith.select %gt3A_319, %get3A_314, %select_n3A_312 : vector<16xi1>, vector<16xi32>
        %get3A_322 = arith.constant 480 : index
        %get3A_323 = tpu.vector_load %arg6[%get3A_322] {strides = array<i32>} : memref<2048xi32, #tpu.memory_space<vmem>>, vector<16xi32>,
        %add3A_324 = arith.addi %add3A_59, %get3A_323 : vector<16xi32>
        %gather3A_325 = tpu.vector_load_idx %arg5[%add3A_324] : memref<65536xf32, #tpu.memory_space<vmem>>[vector<16xi32>], vector<16xf32>,
        %mul3A_326 = arith.mulf %gather3A_325, %gather3A_325 : vector<16xf32>
        %add3A_327 = arith.addf %add3A_318, %mul3A_326 : vector<16xf32>
        %gt3A_328 = arith.cmpf ogt, %mul3A_326, %select_n3A_320 : vector<16xf32>
        %select_n3A_329 = arith.select %gt3A_328, %mul3A_326, %select_n3A_320 : vector<16xi1>, vector<16xf32>
        %select_n3A_330 = arith.select %gt3A_328, %get3A_323, %select_n3A_321 : vector<16xi1>, vector<16xi32>
        %get3A_331 = arith.constant 496 : index
        %get3A_332 = tpu.vector_load %arg6[%get3A_331] {strides = array<i32>} : memref<2048xi32, #tpu.memory_space<vmem>>, vector<16xi32>,
        %add3A_333 = arith.addi %add3A_59, %get3A_332 : vector<16xi32>
        %gather3A_334 = tpu.vector_load_idx %arg5[%add3A_333] : memref<65536xf32, #tpu.memory_space<vmem>>[vector<16xi32>], vector<16xf32>,
        %mul3A_335 = arith.mulf %gather3A_334, %gather3A_334 : vector<16xf32>
        %add3A_336 = arith.addf %add3A_327, %mul3A_335 : vector<16xf32>
        %gt3A_337 = arith.cmpf ogt, %mul3A_335, %select_n3A_329 : vector<16xf32>
        %select_n3A_338 = arith.select %gt3A_337, %mul3A_335, %select_n3A_329 : vector<16xi1>, vector<16xf32>
        %select_n3A_339 = arith.select %gt3A_337, %get3A_332, %select_n3A_330 : vector<16xi1>, vector<16xi32>
        %get3A_340 = arith.constant 512 : index
        %get3A_341 = tpu.vector_load %arg6[%get3A_340] {strides = array<i32>} : memref<2048xi32, #tpu.memory_space<vmem>>, vector<16xi32>,
        %add3A_342 = arith.addi %add3A_59, %get3A_341 : vector<16xi32>
        %gather3A_343 = tpu.vector_load_idx %arg5[%add3A_342] : memref<65536xf32, #tpu.memory_space<vmem>>[vector<16xi32>], vector<16xf32>,
        %mul3A_344 = arith.mulf %gather3A_343, %gather3A_343 : vector<16xf32>
        %add3A_345 = arith.addf %add3A_336, %mul3A_344 : vector<16xf32>
        %gt3A_346 = arith.cmpf ogt, %mul3A_344, %select_n3A_338 : vector<16xf32>
        %select_n3A_347 = arith.select %gt3A_346, %mul3A_344, %select_n3A_338 : vector<16xi1>, vector<16xf32>
        %select_n3A_348 = arith.select %gt3A_346, %get3A_341, %select_n3A_339 : vector<16xi1>, vector<16xi32>
        %get3A_349 = arith.constant 528 : index
        %get3A_350 = tpu.vector_load %arg6[%get3A_349] {strides = array<i32>} : memref<2048xi32, #tpu.memory_space<vmem>>, vector<16xi32>,
        %add3A_351 = arith.addi %add3A_59, %get3A_350 : vector<16xi32>
        %gather3A_352 = tpu.vector_load_idx %arg5[%add3A_351] : memref<65536xf32, #tpu.memory_space<vmem>>[vector<16xi32>], vector<16xf32>,
        %mul3A_353 = arith.mulf %gather3A_352, %gather3A_352 : vector<16xf32>
        %add3A_354 = arith.addf %add3A_345, %mul3A_353 : vector<16xf32>
        %gt3A_355 = arith.cmpf ogt, %mul3A_353, %select_n3A_347 : vector<16xf32>
        %select_n3A_356 = arith.select %gt3A_355, %mul3A_353, %select_n3A_347 : vector<16xi1>, vector<16xf32>
        %select_n3A_357 = arith.select %gt3A_355, %get3A_350, %select_n3A_348 : vector<16xi1>, vector<16xi32>
        %get3A_358 = arith.constant 544 : index
        %get3A_359 = tpu.vector_load %arg6[%get3A_358] {strides = array<i32>} : memref<2048xi32, #tpu.memory_space<vmem>>, vector<16xi32>,
        %add3A_360 = arith.addi %add3A_59, %get3A_359 : vector<16xi32>
        %gather3A_361 = tpu.vector_load_idx %arg5[%add3A_360] : memref<65536xf32, #tpu.memory_space<vmem>>[vector<16xi32>], vector<16xf32>,
        %mul3A_362 = arith.mulf %gather3A_361, %gather3A_361 : vector<16xf32>
        %add3A_363 = arith.addf %add3A_354, %mul3A_362 : vector<16xf32>
        %gt3A_364 = arith.cmpf ogt, %mul3A_362, %select_n3A_356 : vector<16xf32>
        %select_n3A_365 = arith.select %gt3A_364, %mul3A_362, %select_n3A_356 : vector<16xi1>, vector<16xf32>
        %select_n3A_366 = arith.select %gt3A_364, %get3A_359, %select_n3A_357 : vector<16xi1>, vector<16xi32>
        %get3A_367 = arith.constant 560 : index
        %get3A_368 = tpu.vector_load %arg6[%get3A_367] {strides = array<i32>} : memref<2048xi32, #tpu.memory_space<vmem>>, vector<16xi32>,
        %add3A_369 = arith.addi %add3A_59, %get3A_368 : vector<16xi32>
        %gather3A_370 = tpu.vector_load_idx %arg5[%add3A_369] : memref<65536xf32, #tpu.memory_space<vmem>>[vector<16xi32>], vector<16xf32>,
        %mul3A_371 = arith.mulf %gather3A_370, %gather3A_370 : vector<16xf32>
        %add3A_372 = arith.addf %add3A_363, %mul3A_371 : vector<16xf32>
        %gt3A_373 = arith.cmpf ogt, %mul3A_371, %select_n3A_365 : vector<16xf32>
        %select_n3A_374 = arith.select %gt3A_373, %mul3A_371, %select_n3A_365 : vector<16xi1>, vector<16xf32>
        %select_n3A_375 = arith.select %gt3A_373, %get3A_368, %select_n3A_366 : vector<16xi1>, vector<16xi32>
        %get3A_376 = arith.constant 576 : index
        %get3A_377 = tpu.vector_load %arg6[%get3A_376] {strides = array<i32>} : memref<2048xi32, #tpu.memory_space<vmem>>, vector<16xi32>,
        %add3A_378 = arith.addi %add3A_59, %get3A_377 : vector<16xi32>
        %gather3A_379 = tpu.vector_load_idx %arg5[%add3A_378] : memref<65536xf32, #tpu.memory_space<vmem>>[vector<16xi32>], vector<16xf32>,
        %mul3A_380 = arith.mulf %gather3A_379, %gather3A_379 : vector<16xf32>
        %add3A_381 = arith.addf %add3A_372, %mul3A_380 : vector<16xf32>
        %gt3A_382 = arith.cmpf ogt, %mul3A_380, %select_n3A_374 : vector<16xf32>
        %select_n3A_383 = arith.select %gt3A_382, %mul3A_380, %select_n3A_374 : vector<16xi1>, vector<16xf32>
        %select_n3A_384 = arith.select %gt3A_382, %get3A_377, %select_n3A_375 : vector<16xi1>, vector<16xi32>
        %get3A_385 = arith.constant 592 : index
        %get3A_386 = tpu.vector_load %arg6[%get3A_385] {strides = array<i32>} : memref<2048xi32, #tpu.memory_space<vmem>>, vector<16xi32>,
        %add3A_387 = arith.addi %add3A_59, %get3A_386 : vector<16xi32>
        %gather3A_388 = tpu.vector_load_idx %arg5[%add3A_387] : memref<65536xf32, #tpu.memory_space<vmem>>[vector<16xi32>], vector<16xf32>,
        %mul3A_389 = arith.mulf %gather3A_388, %gather3A_388 : vector<16xf32>
        %add3A_390 = arith.addf %add3A_381, %mul3A_389 : vector<16xf32>
        %gt3A_391 = arith.cmpf ogt, %mul3A_389, %select_n3A_383 : vector<16xf32>
        %select_n3A_392 = arith.select %gt3A_391, %mul3A_389, %select_n3A_383 : vector<16xi1>, vector<16xf32>
        %select_n3A_393 = arith.select %gt3A_391, %get3A_386, %select_n3A_384 : vector<16xi1>, vector<16xi32>
        %get3A_394 = arith.constant 608 : index
        %get3A_395 = tpu.vector_load %arg6[%get3A_394] {strides = array<i32>} : memref<2048xi32, #tpu.memory_space<vmem>>, vector<16xi32>,
        %add3A_396 = arith.addi %add3A_59, %get3A_395 : vector<16xi32>
        %gather3A_397 = tpu.vector_load_idx %arg5[%add3A_396] : memref<65536xf32, #tpu.memory_space<vmem>>[vector<16xi32>], vector<16xf32>,
        %mul3A_398 = arith.mulf %gather3A_397, %gather3A_397 : vector<16xf32>
        %add3A_399 = arith.addf %add3A_390, %mul3A_398 : vector<16xf32>
        %gt3A_400 = arith.cmpf ogt, %mul3A_398, %select_n3A_392 : vector<16xf32>
        %select_n3A_401 = arith.select %gt3A_400, %mul3A_398, %select_n3A_392 : vector<16xi1>, vector<16xf32>
        %select_n3A_402 = arith.select %gt3A_400, %get3A_395, %select_n3A_393 : vector<16xi1>, vector<16xi32>
        %get3A_403 = arith.constant 624 : index
        %get3A_404 = tpu.vector_load %arg6[%get3A_403] {strides = array<i32>} : memref<2048xi32, #tpu.memory_space<vmem>>, vector<16xi32>,
        %add3A_405 = arith.addi %add3A_59, %get3A_404 : vector<16xi32>
        %gather3A_406 = tpu.vector_load_idx %arg5[%add3A_405] : memref<65536xf32, #tpu.memory_space<vmem>>[vector<16xi32>], vector<16xf32>,
        %mul3A_407 = arith.mulf %gather3A_406, %gather3A_406 : vector<16xf32>
        %add3A_408 = arith.addf %add3A_399, %mul3A_407 : vector<16xf32>
        %gt3A_409 = arith.cmpf ogt, %mul3A_407, %select_n3A_401 : vector<16xf32>
        %select_n3A_410 = arith.select %gt3A_409, %mul3A_407, %select_n3A_401 : vector<16xi1>, vector<16xf32>
        %select_n3A_411 = arith.select %gt3A_409, %get3A_404, %select_n3A_402 : vector<16xi1>, vector<16xi32>
        %get3A_412 = arith.constant 640 : index
        %get3A_413 = tpu.vector_load %arg6[%get3A_412] {strides = array<i32>} : memref<2048xi32, #tpu.memory_space<vmem>>, vector<16xi32>,
        %add3A_414 = arith.addi %add3A_59, %get3A_413 : vector<16xi32>
        %gather3A_415 = tpu.vector_load_idx %arg5[%add3A_414] : memref<65536xf32, #tpu.memory_space<vmem>>[vector<16xi32>], vector<16xf32>,
        %mul3A_416 = arith.mulf %gather3A_415, %gather3A_415 : vector<16xf32>
        %add3A_417 = arith.addf %add3A_408, %mul3A_416 : vector<16xf32>
        %gt3A_418 = arith.cmpf ogt, %mul3A_416, %select_n3A_410 : vector<16xf32>
        %select_n3A_419 = arith.select %gt3A_418, %mul3A_416, %select_n3A_410 : vector<16xi1>, vector<16xf32>
        %select_n3A_420 = arith.select %gt3A_418, %get3A_413, %select_n3A_411 : vector<16xi1>, vector<16xi32>
        %get3A_421 = arith.constant 656 : index
        %get3A_422 = tpu.vector_load %arg6[%get3A_421] {strides = array<i32>} : memref<2048xi32, #tpu.memory_space<vmem>>, vector<16xi32>,
        %add3A_423 = arith.addi %add3A_59, %get3A_422 : vector<16xi32>
        %gather3A_424 = tpu.vector_load_idx %arg5[%add3A_423] : memref<65536xf32, #tpu.memory_space<vmem>>[vector<16xi32>], vector<16xf32>,
        %mul3A_425 = arith.mulf %gather3A_424, %gather3A_424 : vector<16xf32>
        %add3A_426 = arith.addf %add3A_417, %mul3A_425 : vector<16xf32>
        %gt3A_427 = arith.cmpf ogt, %mul3A_425, %select_n3A_419 : vector<16xf32>
        %select_n3A_428 = arith.select %gt3A_427, %mul3A_425, %select_n3A_419 : vector<16xi1>, vector<16xf32>
        %select_n3A_429 = arith.select %gt3A_427, %get3A_422, %select_n3A_420 : vector<16xi1>, vector<16xi32>
        %get3A_430 = arith.constant 672 : index
        %get3A_431 = tpu.vector_load %arg6[%get3A_430] {strides = array<i32>} : memref<2048xi32, #tpu.memory_space<vmem>>, vector<16xi32>,
        %add3A_432 = arith.addi %add3A_59, %get3A_431 : vector<16xi32>
        %gather3A_433 = tpu.vector_load_idx %arg5[%add3A_432] : memref<65536xf32, #tpu.memory_space<vmem>>[vector<16xi32>], vector<16xf32>,
        %mul3A_434 = arith.mulf %gather3A_433, %gather3A_433 : vector<16xf32>
        %add3A_435 = arith.addf %add3A_426, %mul3A_434 : vector<16xf32>
        %gt3A_436 = arith.cmpf ogt, %mul3A_434, %select_n3A_428 : vector<16xf32>
        %select_n3A_437 = arith.select %gt3A_436, %mul3A_434, %select_n3A_428 : vector<16xi1>, vector<16xf32>
        %select_n3A_438 = arith.select %gt3A_436, %get3A_431, %select_n3A_429 : vector<16xi1>, vector<16xi32>
        %get3A_439 = arith.constant 688 : index
        %get3A_440 = tpu.vector_load %arg6[%get3A_439] {strides = array<i32>} : memref<2048xi32, #tpu.memory_space<vmem>>, vector<16xi32>,
        %add3A_441 = arith.addi %add3A_59, %get3A_440 : vector<16xi32>
        %gather3A_442 = tpu.vector_load_idx %arg5[%add3A_441] : memref<65536xf32, #tpu.memory_space<vmem>>[vector<16xi32>], vector<16xf32>,
        %mul3A_443 = arith.mulf %gather3A_442, %gather3A_442 : vector<16xf32>
        %add3A_444 = arith.addf %add3A_435, %mul3A_443 : vector<16xf32>
        %gt3A_445 = arith.cmpf ogt, %mul3A_443, %select_n3A_437 : vector<16xf32>
        %select_n3A_446 = arith.select %gt3A_445, %mul3A_443, %select_n3A_437 : vector<16xi1>, vector<16xf32>
        %select_n3A_447 = arith.select %gt3A_445, %get3A_440, %select_n3A_438 : vector<16xi1>, vector<16xi32>
        %get3A_448 = arith.constant 704 : index
        %get3A_449 = tpu.vector_load %arg6[%get3A_448] {strides = array<i32>} : memref<2048xi32, #tpu.memory_space<vmem>>, vector<16xi32>,
        %add3A_450 = arith.addi %add3A_59, %get3A_449 : vector<16xi32>
        %gather3A_451 = tpu.vector_load_idx %arg5[%add3A_450] : memref<65536xf32, #tpu.memory_space<vmem>>[vector<16xi32>], vector<16xf32>,
        %mul3A_452 = arith.mulf %gather3A_451, %gather3A_451 : vector<16xf32>
        %add3A_453 = arith.addf %add3A_444, %mul3A_452 : vector<16xf32>
        %gt3A_454 = arith.cmpf ogt, %mul3A_452, %select_n3A_446 : vector<16xf32>
        %select_n3A_455 = arith.select %gt3A_454, %mul3A_452, %select_n3A_446 : vector<16xi1>, vector<16xf32>
        %select_n3A_456 = arith.select %gt3A_454, %get3A_449, %select_n3A_447 : vector<16xi1>, vector<16xi32>
        %get3A_457 = arith.constant 720 : index
        %get3A_458 = tpu.vector_load %arg6[%get3A_457] {strides = array<i32>} : memref<2048xi32, #tpu.memory_space<vmem>>, vector<16xi32>,
        %add3A_459 = arith.addi %add3A_59, %get3A_458 : vector<16xi32>
        %gather3A_460 = tpu.vector_load_idx %arg5[%add3A_459] : memref<65536xf32, #tpu.memory_space<vmem>>[vector<16xi32>], vector<16xf32>,
        %mul3A_461 = arith.mulf %gather3A_460, %gather3A_460 : vector<16xf32>
        %add3A_462 = arith.addf %add3A_453, %mul3A_461 : vector<16xf32>
        %gt3A_463 = arith.cmpf ogt, %mul3A_461, %select_n3A_455 : vector<16xf32>
        %select_n3A_464 = arith.select %gt3A_463, %mul3A_461, %select_n3A_455 : vector<16xi1>, vector<16xf32>
        %select_n3A_465 = arith.select %gt3A_463, %get3A_458, %select_n3A_456 : vector<16xi1>, vector<16xi32>
        %get3A_466 = arith.constant 736 : index
        %get3A_467 = tpu.vector_load %arg6[%get3A_466] {strides = array<i32>} : memref<2048xi32, #tpu.memory_space<vmem>>, vector<16xi32>,
        %add3A_468 = arith.addi %add3A_59, %get3A_467 : vector<16xi32>
        %gather3A_469 = tpu.vector_load_idx %arg5[%add3A_468] : memref<65536xf32, #tpu.memory_space<vmem>>[vector<16xi32>], vector<16xf32>,
        %mul3A_470 = arith.mulf %gather3A_469, %gather3A_469 : vector<16xf32>
        %add3A_471 = arith.addf %add3A_462, %mul3A_470 : vector<16xf32>
        %gt3A_472 = arith.cmpf ogt, %mul3A_470, %select_n3A_464 : vector<16xf32>
        %select_n3A_473 = arith.select %gt3A_472, %mul3A_470, %select_n3A_464 : vector<16xi1>, vector<16xf32>
        %select_n3A_474 = arith.select %gt3A_472, %get3A_467, %select_n3A_465 : vector<16xi1>, vector<16xi32>
        %get3A_475 = arith.constant 752 : index
        %get3A_476 = tpu.vector_load %arg6[%get3A_475] {strides = array<i32>} : memref<2048xi32, #tpu.memory_space<vmem>>, vector<16xi32>,
        %add3A_477 = arith.addi %add3A_59, %get3A_476 : vector<16xi32>
        %gather3A_478 = tpu.vector_load_idx %arg5[%add3A_477] : memref<65536xf32, #tpu.memory_space<vmem>>[vector<16xi32>], vector<16xf32>,
        %mul3A_479 = arith.mulf %gather3A_478, %gather3A_478 : vector<16xf32>
        %add3A_480 = arith.addf %add3A_471, %mul3A_479 : vector<16xf32>
        %gt3A_481 = arith.cmpf ogt, %mul3A_479, %select_n3A_473 : vector<16xf32>
        %select_n3A_482 = arith.select %gt3A_481, %mul3A_479, %select_n3A_473 : vector<16xi1>, vector<16xf32>
        %select_n3A_483 = arith.select %gt3A_481, %get3A_476, %select_n3A_474 : vector<16xi1>, vector<16xi32>
        %get3A_484 = arith.constant 768 : index
        %get3A_485 = tpu.vector_load %arg6[%get3A_484] {strides = array<i32>} : memref<2048xi32, #tpu.memory_space<vmem>>, vector<16xi32>,
        %add3A_486 = arith.addi %add3A_59, %get3A_485 : vector<16xi32>
        %gather3A_487 = tpu.vector_load_idx %arg5[%add3A_486] : memref<65536xf32, #tpu.memory_space<vmem>>[vector<16xi32>], vector<16xf32>,
        %mul3A_488 = arith.mulf %gather3A_487, %gather3A_487 : vector<16xf32>
        %add3A_489 = arith.addf %add3A_480, %mul3A_488 : vector<16xf32>
        %gt3A_490 = arith.cmpf ogt, %mul3A_488, %select_n3A_482 : vector<16xf32>
        %select_n3A_491 = arith.select %gt3A_490, %mul3A_488, %select_n3A_482 : vector<16xi1>, vector<16xf32>
        %select_n3A_492 = arith.select %gt3A_490, %get3A_485, %select_n3A_483 : vector<16xi1>, vector<16xi32>
        %get3A_493 = arith.constant 784 : index
        %get3A_494 = tpu.vector_load %arg6[%get3A_493] {strides = array<i32>} : memref<2048xi32, #tpu.memory_space<vmem>>, vector<16xi32>,
        %add3A_495 = arith.addi %add3A_59, %get3A_494 : vector<16xi32>
        %gather3A_496 = tpu.vector_load_idx %arg5[%add3A_495] : memref<65536xf32, #tpu.memory_space<vmem>>[vector<16xi32>], vector<16xf32>,
        %mul3A_497 = arith.mulf %gather3A_496, %gather3A_496 : vector<16xf32>
        %add3A_498 = arith.addf %add3A_489, %mul3A_497 : vector<16xf32>
        %gt3A_499 = arith.cmpf ogt, %mul3A_497, %select_n3A_491 : vector<16xf32>
        %select_n3A_500 = arith.select %gt3A_499, %mul3A_497, %select_n3A_491 : vector<16xi1>, vector<16xf32>
        %select_n3A_501 = arith.select %gt3A_499, %get3A_494, %select_n3A_492 : vector<16xi1>, vector<16xi32>
        %get3A_502 = arith.constant 800 : index
        %get3A_503 = tpu.vector_load %arg6[%get3A_502] {strides = array<i32>} : memref<2048xi32, #tpu.memory_space<vmem>>, vector<16xi32>,
        %add3A_504 = arith.addi %add3A_59, %get3A_503 : vector<16xi32>
        %gather3A_505 = tpu.vector_load_idx %arg5[%add3A_504] : memref<65536xf32, #tpu.memory_space<vmem>>[vector<16xi32>], vector<16xf32>,
        %mul3A_506 = arith.mulf %gather3A_505, %gather3A_505 : vector<16xf32>
        %add3A_507 = arith.addf %add3A_498, %mul3A_506 : vector<16xf32>
        %gt3A_508 = arith.cmpf ogt, %mul3A_506, %select_n3A_500 : vector<16xf32>
        %select_n3A_509 = arith.select %gt3A_508, %mul3A_506, %select_n3A_500 : vector<16xi1>, vector<16xf32>
        %select_n3A_510 = arith.select %gt3A_508, %get3A_503, %select_n3A_501 : vector<16xi1>, vector<16xi32>
        %get3A_511 = arith.constant 816 : index
        %get3A_512 = tpu.vector_load %arg6[%get3A_511] {strides = array<i32>} : memref<2048xi32, #tpu.memory_space<vmem>>, vector<16xi32>,
        %add3A_513 = arith.addi %add3A_59, %get3A_512 : vector<16xi32>
        %gather3A_514 = tpu.vector_load_idx %arg5[%add3A_513] : memref<65536xf32, #tpu.memory_space<vmem>>[vector<16xi32>], vector<16xf32>,
        %mul3A_515 = arith.mulf %gather3A_514, %gather3A_514 : vector<16xf32>
        %add3A_516 = arith.addf %add3A_507, %mul3A_515 : vector<16xf32>
        %gt3A_517 = arith.cmpf ogt, %mul3A_515, %select_n3A_509 : vector<16xf32>
        %select_n3A_518 = arith.select %gt3A_517, %mul3A_515, %select_n3A_509 : vector<16xi1>, vector<16xf32>
        %select_n3A_519 = arith.select %gt3A_517, %get3A_512, %select_n3A_510 : vector<16xi1>, vector<16xi32>
        %get3A_520 = arith.constant 832 : index
        %get3A_521 = tpu.vector_load %arg6[%get3A_520] {strides = array<i32>} : memref<2048xi32, #tpu.memory_space<vmem>>, vector<16xi32>,
        %add3A_522 = arith.addi %add3A_59, %get3A_521 : vector<16xi32>
        %gather3A_523 = tpu.vector_load_idx %arg5[%add3A_522] : memref<65536xf32, #tpu.memory_space<vmem>>[vector<16xi32>], vector<16xf32>,
        %mul3A_524 = arith.mulf %gather3A_523, %gather3A_523 : vector<16xf32>
        %add3A_525 = arith.addf %add3A_516, %mul3A_524 : vector<16xf32>
        %gt3A_526 = arith.cmpf ogt, %mul3A_524, %select_n3A_518 : vector<16xf32>
        %select_n3A_527 = arith.select %gt3A_526, %mul3A_524, %select_n3A_518 : vector<16xi1>, vector<16xf32>
        %select_n3A_528 = arith.select %gt3A_526, %get3A_521, %select_n3A_519 : vector<16xi1>, vector<16xi32>
        %get3A_529 = arith.constant 848 : index
        %get3A_530 = tpu.vector_load %arg6[%get3A_529] {strides = array<i32>} : memref<2048xi32, #tpu.memory_space<vmem>>, vector<16xi32>,
        %add3A_531 = arith.addi %add3A_59, %get3A_530 : vector<16xi32>
        %gather3A_532 = tpu.vector_load_idx %arg5[%add3A_531] : memref<65536xf32, #tpu.memory_space<vmem>>[vector<16xi32>], vector<16xf32>,
        %mul3A_533 = arith.mulf %gather3A_532, %gather3A_532 : vector<16xf32>
        %add3A_534 = arith.addf %add3A_525, %mul3A_533 : vector<16xf32>
        %gt3A_535 = arith.cmpf ogt, %mul3A_533, %select_n3A_527 : vector<16xf32>
        %select_n3A_536 = arith.select %gt3A_535, %mul3A_533, %select_n3A_527 : vector<16xi1>, vector<16xf32>
        %select_n3A_537 = arith.select %gt3A_535, %get3A_530, %select_n3A_528 : vector<16xi1>, vector<16xi32>
        %get3A_538 = arith.constant 864 : index
        %get3A_539 = tpu.vector_load %arg6[%get3A_538] {strides = array<i32>} : memref<2048xi32, #tpu.memory_space<vmem>>, vector<16xi32>,
        %add3A_540 = arith.addi %add3A_59, %get3A_539 : vector<16xi32>
        %gather3A_541 = tpu.vector_load_idx %arg5[%add3A_540] : memref<65536xf32, #tpu.memory_space<vmem>>[vector<16xi32>], vector<16xf32>,
        %mul3A_542 = arith.mulf %gather3A_541, %gather3A_541 : vector<16xf32>
        %add3A_543 = arith.addf %add3A_534, %mul3A_542 : vector<16xf32>
        %gt3A_544 = arith.cmpf ogt, %mul3A_542, %select_n3A_536 : vector<16xf32>
        %select_n3A_545 = arith.select %gt3A_544, %mul3A_542, %select_n3A_536 : vector<16xi1>, vector<16xf32>
        %select_n3A_546 = arith.select %gt3A_544, %get3A_539, %select_n3A_537 : vector<16xi1>, vector<16xi32>
        %get3A_547 = arith.constant 880 : index
        %get3A_548 = tpu.vector_load %arg6[%get3A_547] {strides = array<i32>} : memref<2048xi32, #tpu.memory_space<vmem>>, vector<16xi32>,
        %add3A_549 = arith.addi %add3A_59, %get3A_548 : vector<16xi32>
        %gather3A_550 = tpu.vector_load_idx %arg5[%add3A_549] : memref<65536xf32, #tpu.memory_space<vmem>>[vector<16xi32>], vector<16xf32>,
        %mul3A_551 = arith.mulf %gather3A_550, %gather3A_550 : vector<16xf32>
        %add3A_552 = arith.addf %add3A_543, %mul3A_551 : vector<16xf32>
        %gt3A_553 = arith.cmpf ogt, %mul3A_551, %select_n3A_545 : vector<16xf32>
        %select_n3A_554 = arith.select %gt3A_553, %mul3A_551, %select_n3A_545 : vector<16xi1>, vector<16xf32>
        %select_n3A_555 = arith.select %gt3A_553, %get3A_548, %select_n3A_546 : vector<16xi1>, vector<16xi32>
        %get3A_556 = arith.constant 896 : index
        %get3A_557 = tpu.vector_load %arg6[%get3A_556] {strides = array<i32>} : memref<2048xi32, #tpu.memory_space<vmem>>, vector<16xi32>,
        %add3A_558 = arith.addi %add3A_59, %get3A_557 : vector<16xi32>
        %gather3A_559 = tpu.vector_load_idx %arg5[%add3A_558] : memref<65536xf32, #tpu.memory_space<vmem>>[vector<16xi32>], vector<16xf32>,
        %mul3A_560 = arith.mulf %gather3A_559, %gather3A_559 : vector<16xf32>
        %add3A_561 = arith.addf %add3A_552, %mul3A_560 : vector<16xf32>
        %gt3A_562 = arith.cmpf ogt, %mul3A_560, %select_n3A_554 : vector<16xf32>
        %select_n3A_563 = arith.select %gt3A_562, %mul3A_560, %select_n3A_554 : vector<16xi1>, vector<16xf32>
        %select_n3A_564 = arith.select %gt3A_562, %get3A_557, %select_n3A_555 : vector<16xi1>, vector<16xi32>
        %get3A_565 = arith.constant 912 : index
        %get3A_566 = tpu.vector_load %arg6[%get3A_565] {strides = array<i32>} : memref<2048xi32, #tpu.memory_space<vmem>>, vector<16xi32>,
        %add3A_567 = arith.addi %add3A_59, %get3A_566 : vector<16xi32>
        %gather3A_568 = tpu.vector_load_idx %arg5[%add3A_567] : memref<65536xf32, #tpu.memory_space<vmem>>[vector<16xi32>], vector<16xf32>,
        %mul3A_569 = arith.mulf %gather3A_568, %gather3A_568 : vector<16xf32>
        %add3A_570 = arith.addf %add3A_561, %mul3A_569 : vector<16xf32>
        %gt3A_571 = arith.cmpf ogt, %mul3A_569, %select_n3A_563 : vector<16xf32>
        %select_n3A_572 = arith.select %gt3A_571, %mul3A_569, %select_n3A_563 : vector<16xi1>, vector<16xf32>
        %select_n3A_573 = arith.select %gt3A_571, %get3A_566, %select_n3A_564 : vector<16xi1>, vector<16xi32>
        %get3A_574 = arith.constant 928 : index
        %get3A_575 = tpu.vector_load %arg6[%get3A_574] {strides = array<i32>} : memref<2048xi32, #tpu.memory_space<vmem>>, vector<16xi32>,
        %add3A_576 = arith.addi %add3A_59, %get3A_575 : vector<16xi32>
        %gather3A_577 = tpu.vector_load_idx %arg5[%add3A_576] : memref<65536xf32, #tpu.memory_space<vmem>>[vector<16xi32>], vector<16xf32>,
        %mul3A_578 = arith.mulf %gather3A_577, %gather3A_577 : vector<16xf32>
        %add3A_579 = arith.addf %add3A_570, %mul3A_578 : vector<16xf32>
        %gt3A_580 = arith.cmpf ogt, %mul3A_578, %select_n3A_572 : vector<16xf32>
        %select_n3A_581 = arith.select %gt3A_580, %mul3A_578, %select_n3A_572 : vector<16xi1>, vector<16xf32>
        %select_n3A_582 = arith.select %gt3A_580, %get3A_575, %select_n3A_573 : vector<16xi1>, vector<16xi32>
        %get3A_583 = arith.constant 944 : index
        %get3A_584 = tpu.vector_load %arg6[%get3A_583] {strides = array<i32>} : memref<2048xi32, #tpu.memory_space<vmem>>, vector<16xi32>,
        %add3A_585 = arith.addi %add3A_59, %get3A_584 : vector<16xi32>
        %gather3A_586 = tpu.vector_load_idx %arg5[%add3A_585] : memref<65536xf32, #tpu.memory_space<vmem>>[vector<16xi32>], vector<16xf32>,
        %mul3A_587 = arith.mulf %gather3A_586, %gather3A_586 : vector<16xf32>
        %add3A_588 = arith.addf %add3A_579, %mul3A_587 : vector<16xf32>
        %gt3A_589 = arith.cmpf ogt, %mul3A_587, %select_n3A_581 : vector<16xf32>
        %select_n3A_590 = arith.select %gt3A_589, %mul3A_587, %select_n3A_581 : vector<16xi1>, vector<16xf32>
        %select_n3A_591 = arith.select %gt3A_589, %get3A_584, %select_n3A_582 : vector<16xi1>, vector<16xi32>
        %get3A_592 = arith.constant 960 : index
        %get3A_593 = tpu.vector_load %arg6[%get3A_592] {strides = array<i32>} : memref<2048xi32, #tpu.memory_space<vmem>>, vector<16xi32>,
        %add3A_594 = arith.addi %add3A_59, %get3A_593 : vector<16xi32>
        %gather3A_595 = tpu.vector_load_idx %arg5[%add3A_594] : memref<65536xf32, #tpu.memory_space<vmem>>[vector<16xi32>], vector<16xf32>,
        %mul3A_596 = arith.mulf %gather3A_595, %gather3A_595 : vector<16xf32>
        %add3A_597 = arith.addf %add3A_588, %mul3A_596 : vector<16xf32>
        %gt3A_598 = arith.cmpf ogt, %mul3A_596, %select_n3A_590 : vector<16xf32>
        %select_n3A_599 = arith.select %gt3A_598, %mul3A_596, %select_n3A_590 : vector<16xi1>, vector<16xf32>
        %select_n3A_600 = arith.select %gt3A_598, %get3A_593, %select_n3A_591 : vector<16xi1>, vector<16xi32>
        %get3A_601 = arith.constant 976 : index
        %get3A_602 = tpu.vector_load %arg6[%get3A_601] {strides = array<i32>} : memref<2048xi32, #tpu.memory_space<vmem>>, vector<16xi32>,
        %add3A_603 = arith.addi %add3A_59, %get3A_602 : vector<16xi32>
        %gather3A_604 = tpu.vector_load_idx %arg5[%add3A_603] : memref<65536xf32, #tpu.memory_space<vmem>>[vector<16xi32>], vector<16xf32>,
        %mul3A_605 = arith.mulf %gather3A_604, %gather3A_604 : vector<16xf32>
        %add3A_606 = arith.addf %add3A_597, %mul3A_605 : vector<16xf32>
        %gt3A_607 = arith.cmpf ogt, %mul3A_605, %select_n3A_599 : vector<16xf32>
        %select_n3A_608 = arith.select %gt3A_607, %mul3A_605, %select_n3A_599 : vector<16xi1>, vector<16xf32>
        %select_n3A_609 = arith.select %gt3A_607, %get3A_602, %select_n3A_600 : vector<16xi1>, vector<16xi32>
        %get3A_610 = arith.constant 992 : index
        %get3A_611 = tpu.vector_load %arg6[%get3A_610] {strides = array<i32>} : memref<2048xi32, #tpu.memory_space<vmem>>, vector<16xi32>,
        %add3A_612 = arith.addi %add3A_59, %get3A_611 : vector<16xi32>
        %gather3A_613 = tpu.vector_load_idx %arg5[%add3A_612] : memref<65536xf32, #tpu.memory_space<vmem>>[vector<16xi32>], vector<16xf32>,
        %mul3A_614 = arith.mulf %gather3A_613, %gather3A_613 : vector<16xf32>
        %add3A_615 = arith.addf %add3A_606, %mul3A_614 : vector<16xf32>
        %gt3A_616 = arith.cmpf ogt, %mul3A_614, %select_n3A_608 : vector<16xf32>
        %select_n3A_617 = arith.select %gt3A_616, %mul3A_614, %select_n3A_608 : vector<16xi1>, vector<16xf32>
        %select_n3A_618 = arith.select %gt3A_616, %get3A_611, %select_n3A_609 : vector<16xi1>, vector<16xi32>
        %get3A_619 = arith.constant 1008 : index
        %get3A_620 = tpu.vector_load %arg6[%get3A_619] {strides = array<i32>} : memref<2048xi32, #tpu.memory_space<vmem>>, vector<16xi32>,
        %add3A_621 = arith.addi %add3A_59, %get3A_620 : vector<16xi32>
        %gather3A_622 = tpu.vector_load_idx %arg5[%add3A_621] : memref<65536xf32, #tpu.memory_space<vmem>>[vector<16xi32>], vector<16xf32>,
        %mul3A_623 = arith.mulf %gather3A_622, %gather3A_622 : vector<16xf32>
        %add3A_624 = arith.addf %add3A_615, %mul3A_623 : vector<16xf32>
        %gt3A_625 = arith.cmpf ogt, %mul3A_623, %select_n3A_617 : vector<16xf32>
        %select_n3A_626 = arith.select %gt3A_625, %mul3A_623, %select_n3A_617 : vector<16xi1>, vector<16xf32>
        %select_n3A_627 = arith.select %gt3A_625, %get3A_620, %select_n3A_618 : vector<16xi1>, vector<16xi32>
        %get3A_628 = arith.constant 1024 : index
        %get3A_629 = tpu.vector_load %arg6[%get3A_628] {strides = array<i32>} : memref<2048xi32, #tpu.memory_space<vmem>>, vector<16xi32>,
        %add3A_630 = arith.addi %add3A_59, %get3A_629 : vector<16xi32>
        %gather3A_631 = tpu.vector_load_idx %arg5[%add3A_630] : memref<65536xf32, #tpu.memory_space<vmem>>[vector<16xi32>], vector<16xf32>,
        %mul3A_632 = arith.mulf %gather3A_631, %gather3A_631 : vector<16xf32>
        %add3A_633 = arith.addf %add3A_624, %mul3A_632 : vector<16xf32>
        %gt3A_634 = arith.cmpf ogt, %mul3A_632, %select_n3A_626 : vector<16xf32>
        %select_n3A_635 = arith.select %gt3A_634, %mul3A_632, %select_n3A_626 : vector<16xi1>, vector<16xf32>
        %select_n3A_636 = arith.select %gt3A_634, %get3A_629, %select_n3A_627 : vector<16xi1>, vector<16xi32>
        %get3A_637 = arith.constant 1040 : index
        %get3A_638 = tpu.vector_load %arg6[%get3A_637] {strides = array<i32>} : memref<2048xi32, #tpu.memory_space<vmem>>, vector<16xi32>,
        %add3A_639 = arith.addi %add3A_59, %get3A_638 : vector<16xi32>
        %gather3A_640 = tpu.vector_load_idx %arg5[%add3A_639] : memref<65536xf32, #tpu.memory_space<vmem>>[vector<16xi32>], vector<16xf32>,
        %mul3A_641 = arith.mulf %gather3A_640, %gather3A_640 : vector<16xf32>
        %add3A_642 = arith.addf %add3A_633, %mul3A_641 : vector<16xf32>
        %gt3A_643 = arith.cmpf ogt, %mul3A_641, %select_n3A_635 : vector<16xf32>
        %select_n3A_644 = arith.select %gt3A_643, %mul3A_641, %select_n3A_635 : vector<16xi1>, vector<16xf32>
        %select_n3A_645 = arith.select %gt3A_643, %get3A_638, %select_n3A_636 : vector<16xi1>, vector<16xi32>
        %get3A_646 = arith.constant 1056 : index
        %get3A_647 = tpu.vector_load %arg6[%get3A_646] {strides = array<i32>} : memref<2048xi32, #tpu.memory_space<vmem>>, vector<16xi32>,
        %add3A_648 = arith.addi %add3A_59, %get3A_647 : vector<16xi32>
        %gather3A_649 = tpu.vector_load_idx %arg5[%add3A_648] : memref<65536xf32, #tpu.memory_space<vmem>>[vector<16xi32>], vector<16xf32>,
        %mul3A_650 = arith.mulf %gather3A_649, %gather3A_649 : vector<16xf32>
        %add3A_651 = arith.addf %add3A_642, %mul3A_650 : vector<16xf32>
        %gt3A_652 = arith.cmpf ogt, %mul3A_650, %select_n3A_644 : vector<16xf32>
        %select_n3A_653 = arith.select %gt3A_652, %mul3A_650, %select_n3A_644 : vector<16xi1>, vector<16xf32>
        %select_n3A_654 = arith.select %gt3A_652, %get3A_647, %select_n3A_645 : vector<16xi1>, vector<16xi32>
        %get3A_655 = arith.constant 1072 : index
        %get3A_656 = tpu.vector_load %arg6[%get3A_655] {strides = array<i32>} : memref<2048xi32, #tpu.memory_space<vmem>>, vector<16xi32>,
        %add3A_657 = arith.addi %add3A_59, %get3A_656 : vector<16xi32>
        %gather3A_658 = tpu.vector_load_idx %arg5[%add3A_657] : memref<65536xf32, #tpu.memory_space<vmem>>[vector<16xi32>], vector<16xf32>,
        %mul3A_659 = arith.mulf %gather3A_658, %gather3A_658 : vector<16xf32>
        %add3A_660 = arith.addf %add3A_651, %mul3A_659 : vector<16xf32>
        %gt3A_661 = arith.cmpf ogt, %mul3A_659, %select_n3A_653 : vector<16xf32>
        %select_n3A_662 = arith.select %gt3A_661, %mul3A_659, %select_n3A_653 : vector<16xi1>, vector<16xf32>
        %select_n3A_663 = arith.select %gt3A_661, %get3A_656, %select_n3A_654 : vector<16xi1>, vector<16xi32>
        %get3A_664 = arith.constant 1088 : index
        %get3A_665 = tpu.vector_load %arg6[%get3A_664] {strides = array<i32>} : memref<2048xi32, #tpu.memory_space<vmem>>, vector<16xi32>,
        %add3A_666 = arith.addi %add3A_59, %get3A_665 : vector<16xi32>
        %gather3A_667 = tpu.vector_load_idx %arg5[%add3A_666] : memref<65536xf32, #tpu.memory_space<vmem>>[vector<16xi32>], vector<16xf32>,
        %mul3A_668 = arith.mulf %gather3A_667, %gather3A_667 : vector<16xf32>
        %add3A_669 = arith.addf %add3A_660, %mul3A_668 : vector<16xf32>
        %gt3A_670 = arith.cmpf ogt, %mul3A_668, %select_n3A_662 : vector<16xf32>
        %select_n3A_671 = arith.select %gt3A_670, %mul3A_668, %select_n3A_662 : vector<16xi1>, vector<16xf32>
        %select_n3A_672 = arith.select %gt3A_670, %get3A_665, %select_n3A_663 : vector<16xi1>, vector<16xi32>
        %get3A_673 = arith.constant 1104 : index
        %get3A_674 = tpu.vector_load %arg6[%get3A_673] {strides = array<i32>} : memref<2048xi32, #tpu.memory_space<vmem>>, vector<16xi32>,
        %add3A_675 = arith.addi %add3A_59, %get3A_674 : vector<16xi32>
        %gather3A_676 = tpu.vector_load_idx %arg5[%add3A_675] : memref<65536xf32, #tpu.memory_space<vmem>>[vector<16xi32>], vector<16xf32>,
        %mul3A_677 = arith.mulf %gather3A_676, %gather3A_676 : vector<16xf32>
        %add3A_678 = arith.addf %add3A_669, %mul3A_677 : vector<16xf32>
        %gt3A_679 = arith.cmpf ogt, %mul3A_677, %select_n3A_671 : vector<16xf32>
        %select_n3A_680 = arith.select %gt3A_679, %mul3A_677, %select_n3A_671 : vector<16xi1>, vector<16xf32>
        %select_n3A_681 = arith.select %gt3A_679, %get3A_674, %select_n3A_672 : vector<16xi1>, vector<16xi32>
        %get3A_682 = arith.constant 1120 : index
        %get3A_683 = tpu.vector_load %arg6[%get3A_682] {strides = array<i32>} : memref<2048xi32, #tpu.memory_space<vmem>>, vector<16xi32>,
        %add3A_684 = arith.addi %add3A_59, %get3A_683 : vector<16xi32>
        %gather3A_685 = tpu.vector_load_idx %arg5[%add3A_684] : memref<65536xf32, #tpu.memory_space<vmem>>[vector<16xi32>], vector<16xf32>,
        %mul3A_686 = arith.mulf %gather3A_685, %gather3A_685 : vector<16xf32>
        %add3A_687 = arith.addf %add3A_678, %mul3A_686 : vector<16xf32>
        %gt3A_688 = arith.cmpf ogt, %mul3A_686, %select_n3A_680 : vector<16xf32>
        %select_n3A_689 = arith.select %gt3A_688, %mul3A_686, %select_n3A_680 : vector<16xi1>, vector<16xf32>
        %select_n3A_690 = arith.select %gt3A_688, %get3A_683, %select_n3A_681 : vector<16xi1>, vector<16xi32>
        %get3A_691 = arith.constant 1136 : index
        %get3A_692 = tpu.vector_load %arg6[%get3A_691] {strides = array<i32>} : memref<2048xi32, #tpu.memory_space<vmem>>, vector<16xi32>,
        %add3A_693 = arith.addi %add3A_59, %get3A_692 : vector<16xi32>
        %gather3A_694 = tpu.vector_load_idx %arg5[%add3A_693] : memref<65536xf32, #tpu.memory_space<vmem>>[vector<16xi32>], vector<16xf32>,
        %mul3A_695 = arith.mulf %gather3A_694, %gather3A_694 : vector<16xf32>
        %add3A_696 = arith.addf %add3A_687, %mul3A_695 : vector<16xf32>
        %gt3A_697 = arith.cmpf ogt, %mul3A_695, %select_n3A_689 : vector<16xf32>
        %select_n3A_698 = arith.select %gt3A_697, %mul3A_695, %select_n3A_689 : vector<16xi1>, vector<16xf32>
        %select_n3A_699 = arith.select %gt3A_697, %get3A_692, %select_n3A_690 : vector<16xi1>, vector<16xi32>
        %get3A_700 = arith.constant 1152 : index
        %get3A_701 = tpu.vector_load %arg6[%get3A_700] {strides = array<i32>} : memref<2048xi32, #tpu.memory_space<vmem>>, vector<16xi32>,
        %add3A_702 = arith.addi %add3A_59, %get3A_701 : vector<16xi32>
        %gather3A_703 = tpu.vector_load_idx %arg5[%add3A_702] : memref<65536xf32, #tpu.memory_space<vmem>>[vector<16xi32>], vector<16xf32>,
        %mul3A_704 = arith.mulf %gather3A_703, %gather3A_703 : vector<16xf32>
        %add3A_705 = arith.addf %add3A_696, %mul3A_704 : vector<16xf32>
        %gt3A_706 = arith.cmpf ogt, %mul3A_704, %select_n3A_698 : vector<16xf32>
        %select_n3A_707 = arith.select %gt3A_706, %mul3A_704, %select_n3A_698 : vector<16xi1>, vector<16xf32>
        %select_n3A_708 = arith.select %gt3A_706, %get3A_701, %select_n3A_699 : vector<16xi1>, vector<16xi32>
        %get3A_709 = arith.constant 1168 : index
        %get3A_710 = tpu.vector_load %arg6[%get3A_709] {strides = array<i32>} : memref<2048xi32, #tpu.memory_space<vmem>>, vector<16xi32>,
        %add3A_711 = arith.addi %add3A_59, %get3A_710 : vector<16xi32>
        %gather3A_712 = tpu.vector_load_idx %arg5[%add3A_711] : memref<65536xf32, #tpu.memory_space<vmem>>[vector<16xi32>], vector<16xf32>,
        %mul3A_713 = arith.mulf %gather3A_712, %gather3A_712 : vector<16xf32>
        %add3A_714 = arith.addf %add3A_705, %mul3A_713 : vector<16xf32>
        %gt3A_715 = arith.cmpf ogt, %mul3A_713, %select_n3A_707 : vector<16xf32>
        %select_n3A_716 = arith.select %gt3A_715, %mul3A_713, %select_n3A_707 : vector<16xi1>, vector<16xf32>
        %select_n3A_717 = arith.select %gt3A_715, %get3A_710, %select_n3A_708 : vector<16xi1>, vector<16xi32>
        %get3A_718 = arith.constant 1184 : index
        %get3A_719 = tpu.vector_load %arg6[%get3A_718] {strides = array<i32>} : memref<2048xi32, #tpu.memory_space<vmem>>, vector<16xi32>,
        %add3A_720 = arith.addi %add3A_59, %get3A_719 : vector<16xi32>
        %gather3A_721 = tpu.vector_load_idx %arg5[%add3A_720] : memref<65536xf32, #tpu.memory_space<vmem>>[vector<16xi32>], vector<16xf32>,
        %mul3A_722 = arith.mulf %gather3A_721, %gather3A_721 : vector<16xf32>
        %add3A_723 = arith.addf %add3A_714, %mul3A_722 : vector<16xf32>
        %gt3A_724 = arith.cmpf ogt, %mul3A_722, %select_n3A_716 : vector<16xf32>
        %select_n3A_725 = arith.select %gt3A_724, %mul3A_722, %select_n3A_716 : vector<16xi1>, vector<16xf32>
        %select_n3A_726 = arith.select %gt3A_724, %get3A_719, %select_n3A_717 : vector<16xi1>, vector<16xi32>
        %get3A_727 = arith.constant 1200 : index
        %get3A_728 = tpu.vector_load %arg6[%get3A_727] {strides = array<i32>} : memref<2048xi32, #tpu.memory_space<vmem>>, vector<16xi32>,
        %add3A_729 = arith.addi %add3A_59, %get3A_728 : vector<16xi32>
        %gather3A_730 = tpu.vector_load_idx %arg5[%add3A_729] : memref<65536xf32, #tpu.memory_space<vmem>>[vector<16xi32>], vector<16xf32>,
        %mul3A_731 = arith.mulf %gather3A_730, %gather3A_730 : vector<16xf32>
        %add3A_732 = arith.addf %add3A_723, %mul3A_731 : vector<16xf32>
        %gt3A_733 = arith.cmpf ogt, %mul3A_731, %select_n3A_725 : vector<16xf32>
        %select_n3A_734 = arith.select %gt3A_733, %mul3A_731, %select_n3A_725 : vector<16xi1>, vector<16xf32>
        %select_n3A_735 = arith.select %gt3A_733, %get3A_728, %select_n3A_726 : vector<16xi1>, vector<16xi32>
        %get3A_736 = arith.constant 1216 : index
        %get3A_737 = tpu.vector_load %arg6[%get3A_736] {strides = array<i32>} : memref<2048xi32, #tpu.memory_space<vmem>>, vector<16xi32>,
        %add3A_738 = arith.addi %add3A_59, %get3A_737 : vector<16xi32>
        %gather3A_739 = tpu.vector_load_idx %arg5[%add3A_738] : memref<65536xf32, #tpu.memory_space<vmem>>[vector<16xi32>], vector<16xf32>,
        %mul3A_740 = arith.mulf %gather3A_739, %gather3A_739 : vector<16xf32>
        %add3A_741 = arith.addf %add3A_732, %mul3A_740 : vector<16xf32>
        %gt3A_742 = arith.cmpf ogt, %mul3A_740, %select_n3A_734 : vector<16xf32>
        %select_n3A_743 = arith.select %gt3A_742, %mul3A_740, %select_n3A_734 : vector<16xi1>, vector<16xf32>
        %select_n3A_744 = arith.select %gt3A_742, %get3A_737, %select_n3A_735 : vector<16xi1>, vector<16xi32>
        %get3A_745 = arith.constant 1232 : index
        %get3A_746 = tpu.vector_load %arg6[%get3A_745] {strides = array<i32>} : memref<2048xi32, #tpu.memory_space<vmem>>, vector<16xi32>,
        %add3A_747 = arith.addi %add3A_59, %get3A_746 : vector<16xi32>
        %gather3A_748 = tpu.vector_load_idx %arg5[%add3A_747] : memref<65536xf32, #tpu.memory_space<vmem>>[vector<16xi32>], vector<16xf32>,
        %mul3A_749 = arith.mulf %gather3A_748, %gather3A_748 : vector<16xf32>
        %add3A_750 = arith.addf %add3A_741, %mul3A_749 : vector<16xf32>
        %gt3A_751 = arith.cmpf ogt, %mul3A_749, %select_n3A_743 : vector<16xf32>
        %select_n3A_752 = arith.select %gt3A_751, %mul3A_749, %select_n3A_743 : vector<16xi1>, vector<16xf32>
        %select_n3A_753 = arith.select %gt3A_751, %get3A_746, %select_n3A_744 : vector<16xi1>, vector<16xi32>
        %get3A_754 = arith.constant 1248 : index
        %get3A_755 = tpu.vector_load %arg6[%get3A_754] {strides = array<i32>} : memref<2048xi32, #tpu.memory_space<vmem>>, vector<16xi32>,
        %add3A_756 = arith.addi %add3A_59, %get3A_755 : vector<16xi32>
        %gather3A_757 = tpu.vector_load_idx %arg5[%add3A_756] : memref<65536xf32, #tpu.memory_space<vmem>>[vector<16xi32>], vector<16xf32>,
        %mul3A_758 = arith.mulf %gather3A_757, %gather3A_757 : vector<16xf32>
        %add3A_759 = arith.addf %add3A_750, %mul3A_758 : vector<16xf32>
        %gt3A_760 = arith.cmpf ogt, %mul3A_758, %select_n3A_752 : vector<16xf32>
        %select_n3A_761 = arith.select %gt3A_760, %mul3A_758, %select_n3A_752 : vector<16xi1>, vector<16xf32>
        %select_n3A_762 = arith.select %gt3A_760, %get3A_755, %select_n3A_753 : vector<16xi1>, vector<16xi32>
        %get3A_763 = arith.constant 1264 : index
        %get3A_764 = tpu.vector_load %arg6[%get3A_763] {strides = array<i32>} : memref<2048xi32, #tpu.memory_space<vmem>>, vector<16xi32>,
        %add3A_765 = arith.addi %add3A_59, %get3A_764 : vector<16xi32>
        %gather3A_766 = tpu.vector_load_idx %arg5[%add3A_765] : memref<65536xf32, #tpu.memory_space<vmem>>[vector<16xi32>], vector<16xf32>,
        %mul3A_767 = arith.mulf %gather3A_766, %gather3A_766 : vector<16xf32>
        %add3A_768 = arith.addf %add3A_759, %mul3A_767 : vector<16xf32>
        %gt3A_769 = arith.cmpf ogt, %mul3A_767, %select_n3A_761 : vector<16xf32>
        %select_n3A_770 = arith.select %gt3A_769, %mul3A_767, %select_n3A_761 : vector<16xi1>, vector<16xf32>
        %select_n3A_771 = arith.select %gt3A_769, %get3A_764, %select_n3A_762 : vector<16xi1>, vector<16xi32>
        %get3A_772 = arith.constant 1280 : index
        %get3A_773 = tpu.vector_load %arg6[%get3A_772] {strides = array<i32>} : memref<2048xi32, #tpu.memory_space<vmem>>, vector<16xi32>,
        %add3A_774 = arith.addi %add3A_59, %get3A_773 : vector<16xi32>
        %gather3A_775 = tpu.vector_load_idx %arg5[%add3A_774] : memref<65536xf32, #tpu.memory_space<vmem>>[vector<16xi32>], vector<16xf32>,
        %mul3A_776 = arith.mulf %gather3A_775, %gather3A_775 : vector<16xf32>
        %add3A_777 = arith.addf %add3A_768, %mul3A_776 : vector<16xf32>
        %gt3A_778 = arith.cmpf ogt, %mul3A_776, %select_n3A_770 : vector<16xf32>
        %select_n3A_779 = arith.select %gt3A_778, %mul3A_776, %select_n3A_770 : vector<16xi1>, vector<16xf32>
        %select_n3A_780 = arith.select %gt3A_778, %get3A_773, %select_n3A_771 : vector<16xi1>, vector<16xi32>
        %get3A_781 = arith.constant 1296 : index
        %get3A_782 = tpu.vector_load %arg6[%get3A_781] {strides = array<i32>} : memref<2048xi32, #tpu.memory_space<vmem>>, vector<16xi32>,
        %add3A_783 = arith.addi %add3A_59, %get3A_782 : vector<16xi32>
        %gather3A_784 = tpu.vector_load_idx %arg5[%add3A_783] : memref<65536xf32, #tpu.memory_space<vmem>>[vector<16xi32>], vector<16xf32>,
        %mul3A_785 = arith.mulf %gather3A_784, %gather3A_784 : vector<16xf32>
        %add3A_786 = arith.addf %add3A_777, %mul3A_785 : vector<16xf32>
        %gt3A_787 = arith.cmpf ogt, %mul3A_785, %select_n3A_779 : vector<16xf32>
        %select_n3A_788 = arith.select %gt3A_787, %mul3A_785, %select_n3A_779 : vector<16xi1>, vector<16xf32>
        %select_n3A_789 = arith.select %gt3A_787, %get3A_782, %select_n3A_780 : vector<16xi1>, vector<16xi32>
        %get3A_790 = arith.constant 1312 : index
        %get3A_791 = tpu.vector_load %arg6[%get3A_790] {strides = array<i32>} : memref<2048xi32, #tpu.memory_space<vmem>>, vector<16xi32>,
        %add3A_792 = arith.addi %add3A_59, %get3A_791 : vector<16xi32>
        %gather3A_793 = tpu.vector_load_idx %arg5[%add3A_792] : memref<65536xf32, #tpu.memory_space<vmem>>[vector<16xi32>], vector<16xf32>,
        %mul3A_794 = arith.mulf %gather3A_793, %gather3A_793 : vector<16xf32>
        %add3A_795 = arith.addf %add3A_786, %mul3A_794 : vector<16xf32>
        %gt3A_796 = arith.cmpf ogt, %mul3A_794, %select_n3A_788 : vector<16xf32>
        %select_n3A_797 = arith.select %gt3A_796, %mul3A_794, %select_n3A_788 : vector<16xi1>, vector<16xf32>
        %select_n3A_798 = arith.select %gt3A_796, %get3A_791, %select_n3A_789 : vector<16xi1>, vector<16xi32>
        %get3A_799 = arith.constant 1328 : index
        %get3A_800 = tpu.vector_load %arg6[%get3A_799] {strides = array<i32>} : memref<2048xi32, #tpu.memory_space<vmem>>, vector<16xi32>,
        %add3A_801 = arith.addi %add3A_59, %get3A_800 : vector<16xi32>
        %gather3A_802 = tpu.vector_load_idx %arg5[%add3A_801] : memref<65536xf32, #tpu.memory_space<vmem>>[vector<16xi32>], vector<16xf32>,
        %mul3A_803 = arith.mulf %gather3A_802, %gather3A_802 : vector<16xf32>
        %add3A_804 = arith.addf %add3A_795, %mul3A_803 : vector<16xf32>
        %gt3A_805 = arith.cmpf ogt, %mul3A_803, %select_n3A_797 : vector<16xf32>
        %select_n3A_806 = arith.select %gt3A_805, %mul3A_803, %select_n3A_797 : vector<16xi1>, vector<16xf32>
        %select_n3A_807 = arith.select %gt3A_805, %get3A_800, %select_n3A_798 : vector<16xi1>, vector<16xi32>
        %get3A_808 = arith.constant 1344 : index
        %get3A_809 = tpu.vector_load %arg6[%get3A_808] {strides = array<i32>} : memref<2048xi32, #tpu.memory_space<vmem>>, vector<16xi32>,
        %add3A_810 = arith.addi %add3A_59, %get3A_809 : vector<16xi32>
        %gather3A_811 = tpu.vector_load_idx %arg5[%add3A_810] : memref<65536xf32, #tpu.memory_space<vmem>>[vector<16xi32>], vector<16xf32>,
        %mul3A_812 = arith.mulf %gather3A_811, %gather3A_811 : vector<16xf32>
        %add3A_813 = arith.addf %add3A_804, %mul3A_812 : vector<16xf32>
        %gt3A_814 = arith.cmpf ogt, %mul3A_812, %select_n3A_806 : vector<16xf32>
        %select_n3A_815 = arith.select %gt3A_814, %mul3A_812, %select_n3A_806 : vector<16xi1>, vector<16xf32>
        %select_n3A_816 = arith.select %gt3A_814, %get3A_809, %select_n3A_807 : vector<16xi1>, vector<16xi32>
        %get3A_817 = arith.constant 1360 : index
        %get3A_818 = tpu.vector_load %arg6[%get3A_817] {strides = array<i32>} : memref<2048xi32, #tpu.memory_space<vmem>>, vector<16xi32>,
        %add3A_819 = arith.addi %add3A_59, %get3A_818 : vector<16xi32>
        %gather3A_820 = tpu.vector_load_idx %arg5[%add3A_819] : memref<65536xf32, #tpu.memory_space<vmem>>[vector<16xi32>], vector<16xf32>,
        %mul3A_821 = arith.mulf %gather3A_820, %gather3A_820 : vector<16xf32>
        %add3A_822 = arith.addf %add3A_813, %mul3A_821 : vector<16xf32>
        %gt3A_823 = arith.cmpf ogt, %mul3A_821, %select_n3A_815 : vector<16xf32>
        %select_n3A_824 = arith.select %gt3A_823, %mul3A_821, %select_n3A_815 : vector<16xi1>, vector<16xf32>
        %select_n3A_825 = arith.select %gt3A_823, %get3A_818, %select_n3A_816 : vector<16xi1>, vector<16xi32>
        %get3A_826 = arith.constant 1376 : index
        %get3A_827 = tpu.vector_load %arg6[%get3A_826] {strides = array<i32>} : memref<2048xi32, #tpu.memory_space<vmem>>, vector<16xi32>,
        %add3A_828 = arith.addi %add3A_59, %get3A_827 : vector<16xi32>
        %gather3A_829 = tpu.vector_load_idx %arg5[%add3A_828] : memref<65536xf32, #tpu.memory_space<vmem>>[vector<16xi32>], vector<16xf32>,
        %mul3A_830 = arith.mulf %gather3A_829, %gather3A_829 : vector<16xf32>
        %add3A_831 = arith.addf %add3A_822, %mul3A_830 : vector<16xf32>
        %gt3A_832 = arith.cmpf ogt, %mul3A_830, %select_n3A_824 : vector<16xf32>
        %select_n3A_833 = arith.select %gt3A_832, %mul3A_830, %select_n3A_824 : vector<16xi1>, vector<16xf32>
        %select_n3A_834 = arith.select %gt3A_832, %get3A_827, %select_n3A_825 : vector<16xi1>, vector<16xi32>
        %get3A_835 = arith.constant 1392 : index
        %get3A_836 = tpu.vector_load %arg6[%get3A_835] {strides = array<i32>} : memref<2048xi32, #tpu.memory_space<vmem>>, vector<16xi32>,
        %add3A_837 = arith.addi %add3A_59, %get3A_836 : vector<16xi32>
        %gather3A_838 = tpu.vector_load_idx %arg5[%add3A_837] : memref<65536xf32, #tpu.memory_space<vmem>>[vector<16xi32>], vector<16xf32>,
        %mul3A_839 = arith.mulf %gather3A_838, %gather3A_838 : vector<16xf32>
        %add3A_840 = arith.addf %add3A_831, %mul3A_839 : vector<16xf32>
        %gt3A_841 = arith.cmpf ogt, %mul3A_839, %select_n3A_833 : vector<16xf32>
        %select_n3A_842 = arith.select %gt3A_841, %mul3A_839, %select_n3A_833 : vector<16xi1>, vector<16xf32>
        %select_n3A_843 = arith.select %gt3A_841, %get3A_836, %select_n3A_834 : vector<16xi1>, vector<16xi32>
        %get3A_844 = arith.constant 1408 : index
        %get3A_845 = tpu.vector_load %arg6[%get3A_844] {strides = array<i32>} : memref<2048xi32, #tpu.memory_space<vmem>>, vector<16xi32>,
        %add3A_846 = arith.addi %add3A_59, %get3A_845 : vector<16xi32>
        %gather3A_847 = tpu.vector_load_idx %arg5[%add3A_846] : memref<65536xf32, #tpu.memory_space<vmem>>[vector<16xi32>], vector<16xf32>,
        %mul3A_848 = arith.mulf %gather3A_847, %gather3A_847 : vector<16xf32>
        %add3A_849 = arith.addf %add3A_840, %mul3A_848 : vector<16xf32>
        %gt3A_850 = arith.cmpf ogt, %mul3A_848, %select_n3A_842 : vector<16xf32>
        %select_n3A_851 = arith.select %gt3A_850, %mul3A_848, %select_n3A_842 : vector<16xi1>, vector<16xf32>
        %select_n3A_852 = arith.select %gt3A_850, %get3A_845, %select_n3A_843 : vector<16xi1>, vector<16xi32>
        %get3A_853 = arith.constant 1424 : index
        %get3A_854 = tpu.vector_load %arg6[%get3A_853] {strides = array<i32>} : memref<2048xi32, #tpu.memory_space<vmem>>, vector<16xi32>,
        %add3A_855 = arith.addi %add3A_59, %get3A_854 : vector<16xi32>
        %gather3A_856 = tpu.vector_load_idx %arg5[%add3A_855] : memref<65536xf32, #tpu.memory_space<vmem>>[vector<16xi32>], vector<16xf32>,
        %mul3A_857 = arith.mulf %gather3A_856, %gather3A_856 : vector<16xf32>
        %add3A_858 = arith.addf %add3A_849, %mul3A_857 : vector<16xf32>
        %gt3A_859 = arith.cmpf ogt, %mul3A_857, %select_n3A_851 : vector<16xf32>
        %select_n3A_860 = arith.select %gt3A_859, %mul3A_857, %select_n3A_851 : vector<16xi1>, vector<16xf32>
        %select_n3A_861 = arith.select %gt3A_859, %get3A_854, %select_n3A_852 : vector<16xi1>, vector<16xi32>
        %get3A_862 = arith.constant 1440 : index
        %get3A_863 = tpu.vector_load %arg6[%get3A_862] {strides = array<i32>} : memref<2048xi32, #tpu.memory_space<vmem>>, vector<16xi32>,
        %add3A_864 = arith.addi %add3A_59, %get3A_863 : vector<16xi32>
        %gather3A_865 = tpu.vector_load_idx %arg5[%add3A_864] : memref<65536xf32, #tpu.memory_space<vmem>>[vector<16xi32>], vector<16xf32>,
        %mul3A_866 = arith.mulf %gather3A_865, %gather3A_865 : vector<16xf32>
        %add3A_867 = arith.addf %add3A_858, %mul3A_866 : vector<16xf32>
        %gt3A_868 = arith.cmpf ogt, %mul3A_866, %select_n3A_860 : vector<16xf32>
        %select_n3A_869 = arith.select %gt3A_868, %mul3A_866, %select_n3A_860 : vector<16xi1>, vector<16xf32>
        %select_n3A_870 = arith.select %gt3A_868, %get3A_863, %select_n3A_861 : vector<16xi1>, vector<16xi32>
        %get3A_871 = arith.constant 1456 : index
        %get3A_872 = tpu.vector_load %arg6[%get3A_871] {strides = array<i32>} : memref<2048xi32, #tpu.memory_space<vmem>>, vector<16xi32>,
        %add3A_873 = arith.addi %add3A_59, %get3A_872 : vector<16xi32>
        %gather3A_874 = tpu.vector_load_idx %arg5[%add3A_873] : memref<65536xf32, #tpu.memory_space<vmem>>[vector<16xi32>], vector<16xf32>,
        %mul3A_875 = arith.mulf %gather3A_874, %gather3A_874 : vector<16xf32>
        %add3A_876 = arith.addf %add3A_867, %mul3A_875 : vector<16xf32>
        %gt3A_877 = arith.cmpf ogt, %mul3A_875, %select_n3A_869 : vector<16xf32>
        %select_n3A_878 = arith.select %gt3A_877, %mul3A_875, %select_n3A_869 : vector<16xi1>, vector<16xf32>
        %select_n3A_879 = arith.select %gt3A_877, %get3A_872, %select_n3A_870 : vector<16xi1>, vector<16xi32>
        %get3A_880 = arith.constant 1472 : index
        %get3A_881 = tpu.vector_load %arg6[%get3A_880] {strides = array<i32>} : memref<2048xi32, #tpu.memory_space<vmem>>, vector<16xi32>,
        %add3A_882 = arith.addi %add3A_59, %get3A_881 : vector<16xi32>
        %gather3A_883 = tpu.vector_load_idx %arg5[%add3A_882] : memref<65536xf32, #tpu.memory_space<vmem>>[vector<16xi32>], vector<16xf32>,
        %mul3A_884 = arith.mulf %gather3A_883, %gather3A_883 : vector<16xf32>
        %add3A_885 = arith.addf %add3A_876, %mul3A_884 : vector<16xf32>
        %gt3A_886 = arith.cmpf ogt, %mul3A_884, %select_n3A_878 : vector<16xf32>
        %select_n3A_887 = arith.select %gt3A_886, %mul3A_884, %select_n3A_878 : vector<16xi1>, vector<16xf32>
        %select_n3A_888 = arith.select %gt3A_886, %get3A_881, %select_n3A_879 : vector<16xi1>, vector<16xi32>
        %get3A_889 = arith.constant 1488 : index
        %get3A_890 = tpu.vector_load %arg6[%get3A_889] {strides = array<i32>} : memref<2048xi32, #tpu.memory_space<vmem>>, vector<16xi32>,
        %add3A_891 = arith.addi %add3A_59, %get3A_890 : vector<16xi32>
        %gather3A_892 = tpu.vector_load_idx %arg5[%add3A_891] : memref<65536xf32, #tpu.memory_space<vmem>>[vector<16xi32>], vector<16xf32>,
        %mul3A_893 = arith.mulf %gather3A_892, %gather3A_892 : vector<16xf32>
        %add3A_894 = arith.addf %add3A_885, %mul3A_893 : vector<16xf32>
        %gt3A_895 = arith.cmpf ogt, %mul3A_893, %select_n3A_887 : vector<16xf32>
        %select_n3A_896 = arith.select %gt3A_895, %mul3A_893, %select_n3A_887 : vector<16xi1>, vector<16xf32>
        %select_n3A_897 = arith.select %gt3A_895, %get3A_890, %select_n3A_888 : vector<16xi1>, vector<16xi32>
        %get3A_898 = arith.constant 1504 : index
        %get3A_899 = tpu.vector_load %arg6[%get3A_898] {strides = array<i32>} : memref<2048xi32, #tpu.memory_space<vmem>>, vector<16xi32>,
        %add3A_900 = arith.addi %add3A_59, %get3A_899 : vector<16xi32>
        %gather3A_901 = tpu.vector_load_idx %arg5[%add3A_900] : memref<65536xf32, #tpu.memory_space<vmem>>[vector<16xi32>], vector<16xf32>,
        %mul3A_902 = arith.mulf %gather3A_901, %gather3A_901 : vector<16xf32>
        %add3A_903 = arith.addf %add3A_894, %mul3A_902 : vector<16xf32>
        %gt3A_904 = arith.cmpf ogt, %mul3A_902, %select_n3A_896 : vector<16xf32>
        %select_n3A_905 = arith.select %gt3A_904, %mul3A_902, %select_n3A_896 : vector<16xi1>, vector<16xf32>
        %select_n3A_906 = arith.select %gt3A_904, %get3A_899, %select_n3A_897 : vector<16xi1>, vector<16xi32>
        %get3A_907 = arith.constant 1520 : index
        %get3A_908 = tpu.vector_load %arg6[%get3A_907] {strides = array<i32>} : memref<2048xi32, #tpu.memory_space<vmem>>, vector<16xi32>,
        %add3A_909 = arith.addi %add3A_59, %get3A_908 : vector<16xi32>
        %gather3A_910 = tpu.vector_load_idx %arg5[%add3A_909] : memref<65536xf32, #tpu.memory_space<vmem>>[vector<16xi32>], vector<16xf32>,
        %mul3A_911 = arith.mulf %gather3A_910, %gather3A_910 : vector<16xf32>
        %add3A_912 = arith.addf %add3A_903, %mul3A_911 : vector<16xf32>
        %gt3A_913 = arith.cmpf ogt, %mul3A_911, %select_n3A_905 : vector<16xf32>
        %select_n3A_914 = arith.select %gt3A_913, %mul3A_911, %select_n3A_905 : vector<16xi1>, vector<16xf32>
        %select_n3A_915 = arith.select %gt3A_913, %get3A_908, %select_n3A_906 : vector<16xi1>, vector<16xi32>
        %get3A_916 = arith.constant 1536 : index
        %get3A_917 = tpu.vector_load %arg6[%get3A_916] {strides = array<i32>} : memref<2048xi32, #tpu.memory_space<vmem>>, vector<16xi32>,
        %add3A_918 = arith.addi %add3A_59, %get3A_917 : vector<16xi32>
        %gather3A_919 = tpu.vector_load_idx %arg5[%add3A_918] : memref<65536xf32, #tpu.memory_space<vmem>>[vector<16xi32>], vector<16xf32>,
        %mul3A_920 = arith.mulf %gather3A_919, %gather3A_919 : vector<16xf32>
        %add3A_921 = arith.addf %add3A_912, %mul3A_920 : vector<16xf32>
        %gt3A_922 = arith.cmpf ogt, %mul3A_920, %select_n3A_914 : vector<16xf32>
        %select_n3A_923 = arith.select %gt3A_922, %mul3A_920, %select_n3A_914 : vector<16xi1>, vector<16xf32>
        %select_n3A_924 = arith.select %gt3A_922, %get3A_917, %select_n3A_915 : vector<16xi1>, vector<16xi32>
        %get3A_925 = arith.constant 1552 : index
        %get3A_926 = tpu.vector_load %arg6[%get3A_925] {strides = array<i32>} : memref<2048xi32, #tpu.memory_space<vmem>>, vector<16xi32>,
        %add3A_927 = arith.addi %add3A_59, %get3A_926 : vector<16xi32>
        %gather3A_928 = tpu.vector_load_idx %arg5[%add3A_927] : memref<65536xf32, #tpu.memory_space<vmem>>[vector<16xi32>], vector<16xf32>,
        %mul3A_929 = arith.mulf %gather3A_928, %gather3A_928 : vector<16xf32>
        %add3A_930 = arith.addf %add3A_921, %mul3A_929 : vector<16xf32>
        %gt3A_931 = arith.cmpf ogt, %mul3A_929, %select_n3A_923 : vector<16xf32>
        %select_n3A_932 = arith.select %gt3A_931, %mul3A_929, %select_n3A_923 : vector<16xi1>, vector<16xf32>
        %select_n3A_933 = arith.select %gt3A_931, %get3A_926, %select_n3A_924 : vector<16xi1>, vector<16xi32>
        %get3A_934 = arith.constant 1568 : index
        %get3A_935 = tpu.vector_load %arg6[%get3A_934] {strides = array<i32>} : memref<2048xi32, #tpu.memory_space<vmem>>, vector<16xi32>,
        %add3A_936 = arith.addi %add3A_59, %get3A_935 : vector<16xi32>
        %gather3A_937 = tpu.vector_load_idx %arg5[%add3A_936] : memref<65536xf32, #tpu.memory_space<vmem>>[vector<16xi32>], vector<16xf32>,
        %mul3A_938 = arith.mulf %gather3A_937, %gather3A_937 : vector<16xf32>
        %add3A_939 = arith.addf %add3A_930, %mul3A_938 : vector<16xf32>
        %gt3A_940 = arith.cmpf ogt, %mul3A_938, %select_n3A_932 : vector<16xf32>
        %select_n3A_941 = arith.select %gt3A_940, %mul3A_938, %select_n3A_932 : vector<16xi1>, vector<16xf32>
        %select_n3A_942 = arith.select %gt3A_940, %get3A_935, %select_n3A_933 : vector<16xi1>, vector<16xi32>
        %get3A_943 = arith.constant 1584 : index
        %get3A_944 = tpu.vector_load %arg6[%get3A_943] {strides = array<i32>} : memref<2048xi32, #tpu.memory_space<vmem>>, vector<16xi32>,
        %add3A_945 = arith.addi %add3A_59, %get3A_944 : vector<16xi32>
        %gather3A_946 = tpu.vector_load_idx %arg5[%add3A_945] : memref<65536xf32, #tpu.memory_space<vmem>>[vector<16xi32>], vector<16xf32>,
        %mul3A_947 = arith.mulf %gather3A_946, %gather3A_946 : vector<16xf32>
        %add3A_948 = arith.addf %add3A_939, %mul3A_947 : vector<16xf32>
        %gt3A_949 = arith.cmpf ogt, %mul3A_947, %select_n3A_941 : vector<16xf32>
        %select_n3A_950 = arith.select %gt3A_949, %mul3A_947, %select_n3A_941 : vector<16xi1>, vector<16xf32>
        %select_n3A_951 = arith.select %gt3A_949, %get3A_944, %select_n3A_942 : vector<16xi1>, vector<16xi32>
        %get3A_952 = arith.constant 1600 : index
        %get3A_953 = tpu.vector_load %arg6[%get3A_952] {strides = array<i32>} : memref<2048xi32, #tpu.memory_space<vmem>>, vector<16xi32>,
        %add3A_954 = arith.addi %add3A_59, %get3A_953 : vector<16xi32>
        %gather3A_955 = tpu.vector_load_idx %arg5[%add3A_954] : memref<65536xf32, #tpu.memory_space<vmem>>[vector<16xi32>], vector<16xf32>,
        %mul3A_956 = arith.mulf %gather3A_955, %gather3A_955 : vector<16xf32>
        %add3A_957 = arith.addf %add3A_948, %mul3A_956 : vector<16xf32>
        %gt3A_958 = arith.cmpf ogt, %mul3A_956, %select_n3A_950 : vector<16xf32>
        %select_n3A_959 = arith.select %gt3A_958, %mul3A_956, %select_n3A_950 : vector<16xi1>, vector<16xf32>
        %select_n3A_960 = arith.select %gt3A_958, %get3A_953, %select_n3A_951 : vector<16xi1>, vector<16xi32>
        %get3A_961 = arith.constant 1616 : index
        %get3A_962 = tpu.vector_load %arg6[%get3A_961] {strides = array<i32>} : memref<2048xi32, #tpu.memory_space<vmem>>, vector<16xi32>,
        %add3A_963 = arith.addi %add3A_59, %get3A_962 : vector<16xi32>
        %gather3A_964 = tpu.vector_load_idx %arg5[%add3A_963] : memref<65536xf32, #tpu.memory_space<vmem>>[vector<16xi32>], vector<16xf32>,
        %mul3A_965 = arith.mulf %gather3A_964, %gather3A_964 : vector<16xf32>
        %add3A_966 = arith.addf %add3A_957, %mul3A_965 : vector<16xf32>
        %gt3A_967 = arith.cmpf ogt, %mul3A_965, %select_n3A_959 : vector<16xf32>
        %select_n3A_968 = arith.select %gt3A_967, %mul3A_965, %select_n3A_959 : vector<16xi1>, vector<16xf32>
        %select_n3A_969 = arith.select %gt3A_967, %get3A_962, %select_n3A_960 : vector<16xi1>, vector<16xi32>
        %get3A_970 = arith.constant 1632 : index
        %get3A_971 = tpu.vector_load %arg6[%get3A_970] {strides = array<i32>} : memref<2048xi32, #tpu.memory_space<vmem>>, vector<16xi32>,
        %add3A_972 = arith.addi %add3A_59, %get3A_971 : vector<16xi32>
        %gather3A_973 = tpu.vector_load_idx %arg5[%add3A_972] : memref<65536xf32, #tpu.memory_space<vmem>>[vector<16xi32>], vector<16xf32>,
        %mul3A_974 = arith.mulf %gather3A_973, %gather3A_973 : vector<16xf32>
        %add3A_975 = arith.addf %add3A_966, %mul3A_974 : vector<16xf32>
        %gt3A_976 = arith.cmpf ogt, %mul3A_974, %select_n3A_968 : vector<16xf32>
        %select_n3A_977 = arith.select %gt3A_976, %mul3A_974, %select_n3A_968 : vector<16xi1>, vector<16xf32>
        %select_n3A_978 = arith.select %gt3A_976, %get3A_971, %select_n3A_969 : vector<16xi1>, vector<16xi32>
        %get3A_979 = arith.constant 1648 : index
        %get3A_980 = tpu.vector_load %arg6[%get3A_979] {strides = array<i32>} : memref<2048xi32, #tpu.memory_space<vmem>>, vector<16xi32>,
        %add3A_981 = arith.addi %add3A_59, %get3A_980 : vector<16xi32>
        %gather3A_982 = tpu.vector_load_idx %arg5[%add3A_981] : memref<65536xf32, #tpu.memory_space<vmem>>[vector<16xi32>], vector<16xf32>,
        %mul3A_983 = arith.mulf %gather3A_982, %gather3A_982 : vector<16xf32>
        %add3A_984 = arith.addf %add3A_975, %mul3A_983 : vector<16xf32>
        %gt3A_985 = arith.cmpf ogt, %mul3A_983, %select_n3A_977 : vector<16xf32>
        %select_n3A_986 = arith.select %gt3A_985, %mul3A_983, %select_n3A_977 : vector<16xi1>, vector<16xf32>
        %select_n3A_987 = arith.select %gt3A_985, %get3A_980, %select_n3A_978 : vector<16xi1>, vector<16xi32>
        %get3A_988 = arith.constant 1664 : index
        %get3A_989 = tpu.vector_load %arg6[%get3A_988] {strides = array<i32>} : memref<2048xi32, #tpu.memory_space<vmem>>, vector<16xi32>,
        %add3A_990 = arith.addi %add3A_59, %get3A_989 : vector<16xi32>
        %gather3A_991 = tpu.vector_load_idx %arg5[%add3A_990] : memref<65536xf32, #tpu.memory_space<vmem>>[vector<16xi32>], vector<16xf32>,
        %mul3A_992 = arith.mulf %gather3A_991, %gather3A_991 : vector<16xf32>
        %add3A_993 = arith.addf %add3A_984, %mul3A_992 : vector<16xf32>
        %gt3A_994 = arith.cmpf ogt, %mul3A_992, %select_n3A_986 : vector<16xf32>
        %select_n3A_995 = arith.select %gt3A_994, %mul3A_992, %select_n3A_986 : vector<16xi1>, vector<16xf32>
        %select_n3A_996 = arith.select %gt3A_994, %get3A_989, %select_n3A_987 : vector<16xi1>, vector<16xi32>
        %get3A_997 = arith.constant 1680 : index
        %get3A_998 = tpu.vector_load %arg6[%get3A_997] {strides = array<i32>} : memref<2048xi32, #tpu.memory_space<vmem>>, vector<16xi32>,
        %add3A_999 = arith.addi %add3A_59, %get3A_998 : vector<16xi32>
        %gather3A_1000 = tpu.vector_load_idx %arg5[%add3A_999] : memref<65536xf32, #tpu.memory_space<vmem>>[vector<16xi32>], vector<16xf32>,
        %mul3A_1001 = arith.mulf %gather3A_1000, %gather3A_1000 : vector<16xf32>
        %add3A_1002 = arith.addf %add3A_993, %mul3A_1001 : vector<16xf32>
        %gt3A_1003 = arith.cmpf ogt, %mul3A_1001, %select_n3A_995 : vector<16xf32>
        %select_n3A_1004 = arith.select %gt3A_1003, %mul3A_1001, %select_n3A_995 : vector<16xi1>, vector<16xf32>
        %select_n3A_1005 = arith.select %gt3A_1003, %get3A_998, %select_n3A_996 : vector<16xi1>, vector<16xi32>
        %get3A_1006 = arith.constant 1696 : index
        %get3A_1007 = tpu.vector_load %arg6[%get3A_1006] {strides = array<i32>} : memref<2048xi32, #tpu.memory_space<vmem>>, vector<16xi32>,
        %add3A_1008 = arith.addi %add3A_59, %get3A_1007 : vector<16xi32>
        %gather3A_1009 = tpu.vector_load_idx %arg5[%add3A_1008] : memref<65536xf32, #tpu.memory_space<vmem>>[vector<16xi32>], vector<16xf32>,
        %mul3A_1010 = arith.mulf %gather3A_1009, %gather3A_1009 : vector<16xf32>
        %add3A_1011 = arith.addf %add3A_1002, %mul3A_1010 : vector<16xf32>
        %gt3A_1012 = arith.cmpf ogt, %mul3A_1010, %select_n3A_1004 : vector<16xf32>
        %select_n3A_1013 = arith.select %gt3A_1012, %mul3A_1010, %select_n3A_1004 : vector<16xi1>, vector<16xf32>
        %select_n3A_1014 = arith.select %gt3A_1012, %get3A_1007, %select_n3A_1005 : vector<16xi1>, vector<16xi32>
        %get3A_1015 = arith.constant 1712 : index
        %get3A_1016 = tpu.vector_load %arg6[%get3A_1015] {strides = array<i32>} : memref<2048xi32, #tpu.memory_space<vmem>>, vector<16xi32>,
        %add3A_1017 = arith.addi %add3A_59, %get3A_1016 : vector<16xi32>
        %gather3A_1018 = tpu.vector_load_idx %arg5[%add3A_1017] : memref<65536xf32, #tpu.memory_space<vmem>>[vector<16xi32>], vector<16xf32>,
        %mul3A_1019 = arith.mulf %gather3A_1018, %gather3A_1018 : vector<16xf32>
        %add3A_1020 = arith.addf %add3A_1011, %mul3A_1019 : vector<16xf32>
        %gt3A_1021 = arith.cmpf ogt, %mul3A_1019, %select_n3A_1013 : vector<16xf32>
        %select_n3A_1022 = arith.select %gt3A_1021, %mul3A_1019, %select_n3A_1013 : vector<16xi1>, vector<16xf32>
        %select_n3A_1023 = arith.select %gt3A_1021, %get3A_1016, %select_n3A_1014 : vector<16xi1>, vector<16xi32>
        %get3A_1024 = arith.constant 1728 : index
        %get3A_1025 = tpu.vector_load %arg6[%get3A_1024] {strides = array<i32>} : memref<2048xi32, #tpu.memory_space<vmem>>, vector<16xi32>,
        %add3A_1026 = arith.addi %add3A_59, %get3A_1025 : vector<16xi32>
        %gather3A_1027 = tpu.vector_load_idx %arg5[%add3A_1026] : memref<65536xf32, #tpu.memory_space<vmem>>[vector<16xi32>], vector<16xf32>,
        %mul3A_1028 = arith.mulf %gather3A_1027, %gather3A_1027 : vector<16xf32>
        %add3A_1029 = arith.addf %add3A_1020, %mul3A_1028 : vector<16xf32>
        %gt3A_1030 = arith.cmpf ogt, %mul3A_1028, %select_n3A_1022 : vector<16xf32>
        %select_n3A_1031 = arith.select %gt3A_1030, %mul3A_1028, %select_n3A_1022 : vector<16xi1>, vector<16xf32>
        %select_n3A_1032 = arith.select %gt3A_1030, %get3A_1025, %select_n3A_1023 : vector<16xi1>, vector<16xi32>
        %get3A_1033 = arith.constant 1744 : index
        %get3A_1034 = tpu.vector_load %arg6[%get3A_1033] {strides = array<i32>} : memref<2048xi32, #tpu.memory_space<vmem>>, vector<16xi32>,
        %add3A_1035 = arith.addi %add3A_59, %get3A_1034 : vector<16xi32>
        %gather3A_1036 = tpu.vector_load_idx %arg5[%add3A_1035] : memref<65536xf32, #tpu.memory_space<vmem>>[vector<16xi32>], vector<16xf32>,
        %mul3A_1037 = arith.mulf %gather3A_1036, %gather3A_1036 : vector<16xf32>
        %add3A_1038 = arith.addf %add3A_1029, %mul3A_1037 : vector<16xf32>
        %gt3A_1039 = arith.cmpf ogt, %mul3A_1037, %select_n3A_1031 : vector<16xf32>
        %select_n3A_1040 = arith.select %gt3A_1039, %mul3A_1037, %select_n3A_1031 : vector<16xi1>, vector<16xf32>
        %select_n3A_1041 = arith.select %gt3A_1039, %get3A_1034, %select_n3A_1032 : vector<16xi1>, vector<16xi32>
        %get3A_1042 = arith.constant 1760 : index
        %get3A_1043 = tpu.vector_load %arg6[%get3A_1042] {strides = array<i32>} : memref<2048xi32, #tpu.memory_space<vmem>>, vector<16xi32>,
        %add3A_1044 = arith.addi %add3A_59, %get3A_1043 : vector<16xi32>
        %gather3A_1045 = tpu.vector_load_idx %arg5[%add3A_1044] : memref<65536xf32, #tpu.memory_space<vmem>>[vector<16xi32>], vector<16xf32>,
        %mul3A_1046 = arith.mulf %gather3A_1045, %gather3A_1045 : vector<16xf32>
        %add3A_1047 = arith.addf %add3A_1038, %mul3A_1046 : vector<16xf32>
        %gt3A_1048 = arith.cmpf ogt, %mul3A_1046, %select_n3A_1040 : vector<16xf32>
        %select_n3A_1049 = arith.select %gt3A_1048, %mul3A_1046, %select_n3A_1040 : vector<16xi1>, vector<16xf32>
        %select_n3A_1050 = arith.select %gt3A_1048, %get3A_1043, %select_n3A_1041 : vector<16xi1>, vector<16xi32>
        %get3A_1051 = arith.constant 1776 : index
        %get3A_1052 = tpu.vector_load %arg6[%get3A_1051] {strides = array<i32>} : memref<2048xi32, #tpu.memory_space<vmem>>, vector<16xi32>,
        %add3A_1053 = arith.addi %add3A_59, %get3A_1052 : vector<16xi32>
        %gather3A_1054 = tpu.vector_load_idx %arg5[%add3A_1053] : memref<65536xf32, #tpu.memory_space<vmem>>[vector<16xi32>], vector<16xf32>,
        %mul3A_1055 = arith.mulf %gather3A_1054, %gather3A_1054 : vector<16xf32>
        %add3A_1056 = arith.addf %add3A_1047, %mul3A_1055 : vector<16xf32>
        %gt3A_1057 = arith.cmpf ogt, %mul3A_1055, %select_n3A_1049 : vector<16xf32>
        %select_n3A_1058 = arith.select %gt3A_1057, %mul3A_1055, %select_n3A_1049 : vector<16xi1>, vector<16xf32>
        %select_n3A_1059 = arith.select %gt3A_1057, %get3A_1052, %select_n3A_1050 : vector<16xi1>, vector<16xi32>
        %get3A_1060 = arith.constant 1792 : index
        %get3A_1061 = tpu.vector_load %arg6[%get3A_1060] {strides = array<i32>} : memref<2048xi32, #tpu.memory_space<vmem>>, vector<16xi32>,
        %add3A_1062 = arith.addi %add3A_59, %get3A_1061 : vector<16xi32>
        %gather3A_1063 = tpu.vector_load_idx %arg5[%add3A_1062] : memref<65536xf32, #tpu.memory_space<vmem>>[vector<16xi32>], vector<16xf32>,
        %mul3A_1064 = arith.mulf %gather3A_1063, %gather3A_1063 : vector<16xf32>
        %add3A_1065 = arith.addf %add3A_1056, %mul3A_1064 : vector<16xf32>
        %gt3A_1066 = arith.cmpf ogt, %mul3A_1064, %select_n3A_1058 : vector<16xf32>
        %select_n3A_1067 = arith.select %gt3A_1066, %mul3A_1064, %select_n3A_1058 : vector<16xi1>, vector<16xf32>
        %select_n3A_1068 = arith.select %gt3A_1066, %get3A_1061, %select_n3A_1059 : vector<16xi1>, vector<16xi32>
        %get3A_1069 = arith.constant 1808 : index
        %get3A_1070 = tpu.vector_load %arg6[%get3A_1069] {strides = array<i32>} : memref<2048xi32, #tpu.memory_space<vmem>>, vector<16xi32>,
        %add3A_1071 = arith.addi %add3A_59, %get3A_1070 : vector<16xi32>
        %gather3A_1072 = tpu.vector_load_idx %arg5[%add3A_1071] : memref<65536xf32, #tpu.memory_space<vmem>>[vector<16xi32>], vector<16xf32>,
        %mul3A_1073 = arith.mulf %gather3A_1072, %gather3A_1072 : vector<16xf32>
        %add3A_1074 = arith.addf %add3A_1065, %mul3A_1073 : vector<16xf32>
        %gt3A_1075 = arith.cmpf ogt, %mul3A_1073, %select_n3A_1067 : vector<16xf32>
        %select_n3A_1076 = arith.select %gt3A_1075, %mul3A_1073, %select_n3A_1067 : vector<16xi1>, vector<16xf32>
        %select_n3A_1077 = arith.select %gt3A_1075, %get3A_1070, %select_n3A_1068 : vector<16xi1>, vector<16xi32>
        %get3A_1078 = arith.constant 1824 : index
        %get3A_1079 = tpu.vector_load %arg6[%get3A_1078] {strides = array<i32>} : memref<2048xi32, #tpu.memory_space<vmem>>, vector<16xi32>,
        %add3A_1080 = arith.addi %add3A_59, %get3A_1079 : vector<16xi32>
        %gather3A_1081 = tpu.vector_load_idx %arg5[%add3A_1080] : memref<65536xf32, #tpu.memory_space<vmem>>[vector<16xi32>], vector<16xf32>,
        %mul3A_1082 = arith.mulf %gather3A_1081, %gather3A_1081 : vector<16xf32>
        %add3A_1083 = arith.addf %add3A_1074, %mul3A_1082 : vector<16xf32>
        %gt3A_1084 = arith.cmpf ogt, %mul3A_1082, %select_n3A_1076 : vector<16xf32>
        %select_n3A_1085 = arith.select %gt3A_1084, %mul3A_1082, %select_n3A_1076 : vector<16xi1>, vector<16xf32>
        %select_n3A_1086 = arith.select %gt3A_1084, %get3A_1079, %select_n3A_1077 : vector<16xi1>, vector<16xi32>
        %get3A_1087 = arith.constant 1840 : index
        %get3A_1088 = tpu.vector_load %arg6[%get3A_1087] {strides = array<i32>} : memref<2048xi32, #tpu.memory_space<vmem>>, vector<16xi32>,
        %add3A_1089 = arith.addi %add3A_59, %get3A_1088 : vector<16xi32>
        %gather3A_1090 = tpu.vector_load_idx %arg5[%add3A_1089] : memref<65536xf32, #tpu.memory_space<vmem>>[vector<16xi32>], vector<16xf32>,
        %mul3A_1091 = arith.mulf %gather3A_1090, %gather3A_1090 : vector<16xf32>
        %add3A_1092 = arith.addf %add3A_1083, %mul3A_1091 : vector<16xf32>
        %gt3A_1093 = arith.cmpf ogt, %mul3A_1091, %select_n3A_1085 : vector<16xf32>
        %select_n3A_1094 = arith.select %gt3A_1093, %mul3A_1091, %select_n3A_1085 : vector<16xi1>, vector<16xf32>
        %select_n3A_1095 = arith.select %gt3A_1093, %get3A_1088, %select_n3A_1086 : vector<16xi1>, vector<16xi32>
        %get3A_1096 = arith.constant 1856 : index
        %get3A_1097 = tpu.vector_load %arg6[%get3A_1096] {strides = array<i32>} : memref<2048xi32, #tpu.memory_space<vmem>>, vector<16xi32>,
        %add3A_1098 = arith.addi %add3A_59, %get3A_1097 : vector<16xi32>
        %gather3A_1099 = tpu.vector_load_idx %arg5[%add3A_1098] : memref<65536xf32, #tpu.memory_space<vmem>>[vector<16xi32>], vector<16xf32>,
        %mul3A_1100 = arith.mulf %gather3A_1099, %gather3A_1099 : vector<16xf32>
        %add3A_1101 = arith.addf %add3A_1092, %mul3A_1100 : vector<16xf32>
        %gt3A_1102 = arith.cmpf ogt, %mul3A_1100, %select_n3A_1094 : vector<16xf32>
        %select_n3A_1103 = arith.select %gt3A_1102, %mul3A_1100, %select_n3A_1094 : vector<16xi1>, vector<16xf32>
        %select_n3A_1104 = arith.select %gt3A_1102, %get3A_1097, %select_n3A_1095 : vector<16xi1>, vector<16xi32>
        %get3A_1105 = arith.constant 1872 : index
        %get3A_1106 = tpu.vector_load %arg6[%get3A_1105] {strides = array<i32>} : memref<2048xi32, #tpu.memory_space<vmem>>, vector<16xi32>,
        %add3A_1107 = arith.addi %add3A_59, %get3A_1106 : vector<16xi32>
        %gather3A_1108 = tpu.vector_load_idx %arg5[%add3A_1107] : memref<65536xf32, #tpu.memory_space<vmem>>[vector<16xi32>], vector<16xf32>,
        %mul3A_1109 = arith.mulf %gather3A_1108, %gather3A_1108 : vector<16xf32>
        %add3A_1110 = arith.addf %add3A_1101, %mul3A_1109 : vector<16xf32>
        %gt3A_1111 = arith.cmpf ogt, %mul3A_1109, %select_n3A_1103 : vector<16xf32>
        %select_n3A_1112 = arith.select %gt3A_1111, %mul3A_1109, %select_n3A_1103 : vector<16xi1>, vector<16xf32>
        %select_n3A_1113 = arith.select %gt3A_1111, %get3A_1106, %select_n3A_1104 : vector<16xi1>, vector<16xi32>
        %get3A_1114 = arith.constant 1888 : index
        %get3A_1115 = tpu.vector_load %arg6[%get3A_1114] {strides = array<i32>} : memref<2048xi32, #tpu.memory_space<vmem>>, vector<16xi32>,
        %add3A_1116 = arith.addi %add3A_59, %get3A_1115 : vector<16xi32>
        %gather3A_1117 = tpu.vector_load_idx %arg5[%add3A_1116] : memref<65536xf32, #tpu.memory_space<vmem>>[vector<16xi32>], vector<16xf32>,
        %mul3A_1118 = arith.mulf %gather3A_1117, %gather3A_1117 : vector<16xf32>
        %add3A_1119 = arith.addf %add3A_1110, %mul3A_1118 : vector<16xf32>
        %gt3A_1120 = arith.cmpf ogt, %mul3A_1118, %select_n3A_1112 : vector<16xf32>
        %select_n3A_1121 = arith.select %gt3A_1120, %mul3A_1118, %select_n3A_1112 : vector<16xi1>, vector<16xf32>
        %select_n3A_1122 = arith.select %gt3A_1120, %get3A_1115, %select_n3A_1113 : vector<16xi1>, vector<16xi32>
        %get3A_1123 = arith.constant 1904 : index
        %get3A_1124 = tpu.vector_load %arg6[%get3A_1123] {strides = array<i32>} : memref<2048xi32, #tpu.memory_space<vmem>>, vector<16xi32>,
        %add3A_1125 = arith.addi %add3A_59, %get3A_1124 : vector<16xi32>
        %gather3A_1126 = tpu.vector_load_idx %arg5[%add3A_1125] : memref<65536xf32, #tpu.memory_space<vmem>>[vector<16xi32>], vector<16xf32>,
        %mul3A_1127 = arith.mulf %gather3A_1126, %gather3A_1126 : vector<16xf32>
        %add3A_1128 = arith.addf %add3A_1119, %mul3A_1127 : vector<16xf32>
        %gt3A_1129 = arith.cmpf ogt, %mul3A_1127, %select_n3A_1121 : vector<16xf32>
        %select_n3A_1130 = arith.select %gt3A_1129, %mul3A_1127, %select_n3A_1121 : vector<16xi1>, vector<16xf32>
        %select_n3A_1131 = arith.select %gt3A_1129, %get3A_1124, %select_n3A_1122 : vector<16xi1>, vector<16xi32>
        %get3A_1132 = arith.constant 1920 : index
        %get3A_1133 = tpu.vector_load %arg6[%get3A_1132] {strides = array<i32>} : memref<2048xi32, #tpu.memory_space<vmem>>, vector<16xi32>,
        %add3A_1134 = arith.addi %add3A_59, %get3A_1133 : vector<16xi32>
        %gather3A_1135 = tpu.vector_load_idx %arg5[%add3A_1134] : memref<65536xf32, #tpu.memory_space<vmem>>[vector<16xi32>], vector<16xf32>,
        %mul3A_1136 = arith.mulf %gather3A_1135, %gather3A_1135 : vector<16xf32>
        %add3A_1137 = arith.addf %add3A_1128, %mul3A_1136 : vector<16xf32>
        %gt3A_1138 = arith.cmpf ogt, %mul3A_1136, %select_n3A_1130 : vector<16xf32>
        %select_n3A_1139 = arith.select %gt3A_1138, %mul3A_1136, %select_n3A_1130 : vector<16xi1>, vector<16xf32>
        %select_n3A_1140 = arith.select %gt3A_1138, %get3A_1133, %select_n3A_1131 : vector<16xi1>, vector<16xi32>
        %get3A_1141 = arith.constant 1936 : index
        %get3A_1142 = tpu.vector_load %arg6[%get3A_1141] {strides = array<i32>} : memref<2048xi32, #tpu.memory_space<vmem>>, vector<16xi32>,
        %add3A_1143 = arith.addi %add3A_59, %get3A_1142 : vector<16xi32>
        %gather3A_1144 = tpu.vector_load_idx %arg5[%add3A_1143] : memref<65536xf32, #tpu.memory_space<vmem>>[vector<16xi32>], vector<16xf32>,
        %mul3A_1145 = arith.mulf %gather3A_1144, %gather3A_1144 : vector<16xf32>
        %add3A_1146 = arith.addf %add3A_1137, %mul3A_1145 : vector<16xf32>
        %gt3A_1147 = arith.cmpf ogt, %mul3A_1145, %select_n3A_1139 : vector<16xf32>
        %select_n3A_1148 = arith.select %gt3A_1147, %mul3A_1145, %select_n3A_1139 : vector<16xi1>, vector<16xf32>
        %select_n3A_1149 = arith.select %gt3A_1147, %get3A_1142, %select_n3A_1140 : vector<16xi1>, vector<16xi32>
        %get3A_1150 = arith.constant 1952 : index
        %get3A_1151 = tpu.vector_load %arg6[%get3A_1150] {strides = array<i32>} : memref<2048xi32, #tpu.memory_space<vmem>>, vector<16xi32>,
        %add3A_1152 = arith.addi %add3A_59, %get3A_1151 : vector<16xi32>
        %gather3A_1153 = tpu.vector_load_idx %arg5[%add3A_1152] : memref<65536xf32, #tpu.memory_space<vmem>>[vector<16xi32>], vector<16xf32>,
        %mul3A_1154 = arith.mulf %gather3A_1153, %gather3A_1153 : vector<16xf32>
        %add3A_1155 = arith.addf %add3A_1146, %mul3A_1154 : vector<16xf32>
        %gt3A_1156 = arith.cmpf ogt, %mul3A_1154, %select_n3A_1148 : vector<16xf32>
        %select_n3A_1157 = arith.select %gt3A_1156, %mul3A_1154, %select_n3A_1148 : vector<16xi1>, vector<16xf32>
        %select_n3A_1158 = arith.select %gt3A_1156, %get3A_1151, %select_n3A_1149 : vector<16xi1>, vector<16xi32>
        %get3A_1159 = arith.constant 1968 : index
        %get3A_1160 = tpu.vector_load %arg6[%get3A_1159] {strides = array<i32>} : memref<2048xi32, #tpu.memory_space<vmem>>, vector<16xi32>,
        %add3A_1161 = arith.addi %add3A_59, %get3A_1160 : vector<16xi32>
        %gather3A_1162 = tpu.vector_load_idx %arg5[%add3A_1161] : memref<65536xf32, #tpu.memory_space<vmem>>[vector<16xi32>], vector<16xf32>,
        %mul3A_1163 = arith.mulf %gather3A_1162, %gather3A_1162 : vector<16xf32>
        %add3A_1164 = arith.addf %add3A_1155, %mul3A_1163 : vector<16xf32>
        %gt3A_1165 = arith.cmpf ogt, %mul3A_1163, %select_n3A_1157 : vector<16xf32>
        %select_n3A_1166 = arith.select %gt3A_1165, %mul3A_1163, %select_n3A_1157 : vector<16xi1>, vector<16xf32>
        %select_n3A_1167 = arith.select %gt3A_1165, %get3A_1160, %select_n3A_1158 : vector<16xi1>, vector<16xi32>
        %get3A_1168 = arith.constant 1984 : index
        %get3A_1169 = tpu.vector_load %arg6[%get3A_1168] {strides = array<i32>} : memref<2048xi32, #tpu.memory_space<vmem>>, vector<16xi32>,
        %add3A_1170 = arith.addi %add3A_59, %get3A_1169 : vector<16xi32>
        %gather3A_1171 = tpu.vector_load_idx %arg5[%add3A_1170] : memref<65536xf32, #tpu.memory_space<vmem>>[vector<16xi32>], vector<16xf32>,
        %mul3A_1172 = arith.mulf %gather3A_1171, %gather3A_1171 : vector<16xf32>
        %add3A_1173 = arith.addf %add3A_1164, %mul3A_1172 : vector<16xf32>
        %gt3A_1174 = arith.cmpf ogt, %mul3A_1172, %select_n3A_1166 : vector<16xf32>
        %select_n3A_1175 = arith.select %gt3A_1174, %mul3A_1172, %select_n3A_1166 : vector<16xi1>, vector<16xf32>
        %select_n3A_1176 = arith.select %gt3A_1174, %get3A_1169, %select_n3A_1167 : vector<16xi1>, vector<16xi32>
        %get3A_1177 = arith.constant 2000 : index
        %get3A_1178 = tpu.vector_load %arg6[%get3A_1177] {strides = array<i32>} : memref<2048xi32, #tpu.memory_space<vmem>>, vector<16xi32>,
        %add3A_1179 = arith.addi %add3A_59, %get3A_1178 : vector<16xi32>
        %gather3A_1180 = tpu.vector_load_idx %arg5[%add3A_1179] : memref<65536xf32, #tpu.memory_space<vmem>>[vector<16xi32>], vector<16xf32>,
        %mul3A_1181 = arith.mulf %gather3A_1180, %gather3A_1180 : vector<16xf32>
        %add3A_1182 = arith.addf %add3A_1173, %mul3A_1181 : vector<16xf32>
        %gt3A_1183 = arith.cmpf ogt, %mul3A_1181, %select_n3A_1175 : vector<16xf32>
        %select_n3A_1184 = arith.select %gt3A_1183, %mul3A_1181, %select_n3A_1175 : vector<16xi1>, vector<16xf32>
        %select_n3A_1185 = arith.select %gt3A_1183, %get3A_1178, %select_n3A_1176 : vector<16xi1>, vector<16xi32>
        %get3A_1186 = arith.constant 2016 : index
        %get3A_1187 = tpu.vector_load %arg6[%get3A_1186] {strides = array<i32>} : memref<2048xi32, #tpu.memory_space<vmem>>, vector<16xi32>,
        %add3A_1188 = arith.addi %add3A_59, %get3A_1187 : vector<16xi32>
        %gather3A_1189 = tpu.vector_load_idx %arg5[%add3A_1188] : memref<65536xf32, #tpu.memory_space<vmem>>[vector<16xi32>], vector<16xf32>,
        %mul3A_1190 = arith.mulf %gather3A_1189, %gather3A_1189 : vector<16xf32>
        %add3A_1191 = arith.addf %add3A_1182, %mul3A_1190 : vector<16xf32>
        %gt3A_1192 = arith.cmpf ogt, %mul3A_1190, %select_n3A_1184 : vector<16xf32>
        %select_n3A_1193 = arith.select %gt3A_1192, %mul3A_1190, %select_n3A_1184 : vector<16xi1>, vector<16xf32>
        %select_n3A_1194 = arith.select %gt3A_1192, %get3A_1187, %select_n3A_1185 : vector<16xi1>, vector<16xi32>
        %get3A_1195 = arith.constant 2032 : index
        %get3A_1196 = tpu.vector_load %arg6[%get3A_1195] {strides = array<i32>} : memref<2048xi32, #tpu.memory_space<vmem>>, vector<16xi32>,
        %add3A_1197 = arith.addi %add3A_59, %get3A_1196 : vector<16xi32>
        %gather3A_1198 = tpu.vector_load_idx %arg5[%add3A_1197] : memref<65536xf32, #tpu.memory_space<vmem>>[vector<16xi32>], vector<16xf32>,
        %mul3A_1199 = arith.mulf %gather3A_1198, %gather3A_1198 : vector<16xf32>
        %add3A_1200 = arith.addf %add3A_1191, %mul3A_1199 : vector<16xf32>
        %gt3A_1201 = arith.cmpf ogt, %mul3A_1199, %select_n3A_1193 : vector<16xf32>
        %select_n3A_1202 = arith.select %gt3A_1201, %mul3A_1199, %select_n3A_1193 : vector<16xi1>, vector<16xf32>
        %select_n3A_1203 = arith.select %gt3A_1201, %get3A_1196, %select_n3A_1194 : vector<16xi1>, vector<16xi32>
        %add3A_1204 = arith.addi %add3A_59, %select_n3A_1203 : vector<16xi32>
        %gather3A_1205 = tpu.vector_load_idx %arg5[%add3A_1204] : memref<65536xf32, #tpu.memory_space<vmem>>[vector<16xi32>], vector<16xf32>,
        %bitcast_convert_type3A = tpu.bitcast %gather3A_1205 : vector<16xf32> -> vector<16xi32>
        %shift_right_logical3A = arith.constant 31 : i32
        %shift_right_logical3A_1206 = vector.broadcast %shift_right_logical3A : i32 to vector<16xi32>
        %shift_right_logical3A_1207 = arith.shrui %bitcast_convert_type3A, %shift_right_logical3A_1206 : vector<16xi32>
        %add3A_1208 = arith.constant 1.000000e+00 : f32
        %add3A_1209 = vector.broadcast %add3A_1208 : f32 to vector<16xf32>
        %add3A_1210 = arith.addf %add3A_1200, %add3A_1209 : vector<16xf32>
        %abs3A = math.absf %gather3A_1205 : vector<16xf32>
        %mul3A_1211 = arith.constant 2.000000e+00 : f32
        %mul3A_1212 = vector.broadcast %mul3A_1211 : f32 to vector<16xf32>
        %mul3A_1213 = arith.mulf %mul3A_1212, %abs3A : vector<16xf32>
        %sub3A = arith.subf %add3A_1210, %mul3A_1213 : vector<16xf32>
        %add3A_1214 = arith.addi %select_n3A_1203, %select_n3A_1203 : vector<16xi32>
        %add3A_1215 = arith.addi %add3A_1214, %shift_right_logical3A_1207 : vector<16xi32>
        %mul3A_1216 = arith.constant 256 : i32
        %mul3A_1217 = arith.muli %scan3A_27, %mul3A_1216 : i32
        %mul3A_1218 = arith.constant 16 : i32
        %mul3A_1219 = arith.muli %scan3A_49, %mul3A_1218 : i32
        %add3A_1220 = arith.addi %mul3A_1217, %mul3A_1219 : i32
        %swap3A = arith.index_cast %add3A_1220 : i32 to index
        %swap3A_1221 = tpu.vector_load %arg7[%swap3A] {strides = array<i32>} : memref<1024xf32, #tpu.memory_space<vmem>>, vector<16xf32>,
        tpu.vector_store %arg7[%swap3A], %sub3A {strides = array<i32>} : memref<1024xf32, #tpu.memory_space<vmem>>, vector<16xf32>,
        %swap3A_1222 = arith.index_cast %add3A_1220 : i32 to index
        %swap3A_1223 = tpu.vector_load %arg8[%swap3A_1222] {strides = array<i32>} : memref<1024xi32, #tpu.memory_space<vmem>>, vector<16xi32>,
        tpu.vector_store %arg8[%swap3A_1222], %add3A_1215 {strides = array<i32>} : memref<1024xi32, #tpu.memory_space<vmem>>, vector<16xi32>,
        %scan3A_1224 = arith.constant 0 : i32
        scf.yield %scan3A_1224 : i32
      }
      %scan3A_47 = arith.constant 16 : i32
      %scan3A_48 = arith.constant 0 : i32
      scf.yield %scan3A_48 : i32
    }
    %scan3A_24 = arith.constant 4 : i32
    %div3A = arith.constant 4096 : i32
    %div3A_25 = arith.divsi %mul3A_2, %div3A : i32
    %rem3A = arith.constant 4096 : i32
    %rem3A_26 = arith.remsi %mul3A_2, %rem3A : i32
    "tpu.region"() ({
      %run_scoped3A = tpu.sem_alloc : memref<!tpu.dma_semaphore, #tpu.memory_space<semaphore_mem>>
      %dma_start3A_27 = tpu.memref_slice %arg3[%div3A_25, %rem3A_26] : memref<16x4096xf32, #tpu.memory_space<hbm>> -> memref<1x1024xf32, #tpu.memory_space<hbm>>
      %dma_start3A_28 = tpu.memref_squeeze %dma_start3A_27 : memref<1x1024xf32, #tpu.memory_space<hbm>> -> memref<1024xf32, #tpu.memory_space<hbm>>
      %dma_start3A_29 = tpu.memref_slice %arg3[%div3A_25, %rem3A_26] : memref<16x4096xf32, #tpu.memory_space<hbm>> -> memref<1x1024xf32, #tpu.memory_space<hbm>>
      %dma_start3A_30 = tpu.memref_squeeze %dma_start3A_29 : memref<1x1024xf32, #tpu.memory_space<hbm>> -> memref<1024xf32, #tpu.memory_space<hbm>>
      tpu.enqueue_dma source(%arg7 : memref<1024xf32, #tpu.memory_space<vmem>>) target(%dma_start3A_30 : memref<1024xf32, #tpu.memory_space<hbm>>) target_semaphore(%run_scoped3A : memref<!tpu.dma_semaphore, #tpu.memory_space<semaphore_mem>>)
      %dma_wait3A = tpu.memref_slice %arg3[%div3A_25, %rem3A_26] : memref<16x4096xf32, #tpu.memory_space<hbm>> -> memref<1x1024xf32, #tpu.memory_space<hbm>>
      %dma_wait3A_31 = tpu.memref_squeeze %dma_wait3A : memref<1x1024xf32, #tpu.memory_space<hbm>> -> memref<1024xf32, #tpu.memory_space<hbm>>
      %dma_wait3A_32 = tpu.memref_slice %arg3[%div3A_25, %rem3A_26] : memref<16x4096xf32, #tpu.memory_space<hbm>> -> memref<1x1024xf32, #tpu.memory_space<hbm>>
      %dma_wait3A_33 = tpu.memref_squeeze %dma_wait3A_32 : memref<1x1024xf32, #tpu.memory_space<hbm>> -> memref<1024xf32, #tpu.memory_space<hbm>>
      tpu.wait_dma2 semaphore(%run_scoped3A : memref<!tpu.dma_semaphore, #tpu.memory_space<semaphore_mem>>) src(%arg7 : memref<1024xf32, #tpu.memory_space<vmem>>) dst(%dma_wait3A_33 : memref<1024xf32, #tpu.memory_space<hbm>>)
      tpu.yield
    }) : () -> ()
    "tpu.region"() ({
      %run_scoped3A = tpu.sem_alloc : memref<!tpu.dma_semaphore, #tpu.memory_space<semaphore_mem>>
      %dma_start3A_27 = tpu.memref_slice %arg4[%div3A_25, %rem3A_26] : memref<16x4096xi32, #tpu.memory_space<hbm>> -> memref<1x1024xi32, #tpu.memory_space<hbm>>
      %dma_start3A_28 = tpu.memref_squeeze %dma_start3A_27 : memref<1x1024xi32, #tpu.memory_space<hbm>> -> memref<1024xi32, #tpu.memory_space<hbm>>
      %dma_start3A_29 = tpu.memref_slice %arg4[%div3A_25, %rem3A_26] : memref<16x4096xi32, #tpu.memory_space<hbm>> -> memref<1x1024xi32, #tpu.memory_space<hbm>>
      %dma_start3A_30 = tpu.memref_squeeze %dma_start3A_29 : memref<1x1024xi32, #tpu.memory_space<hbm>> -> memref<1024xi32, #tpu.memory_space<hbm>>
      tpu.enqueue_dma source(%arg8 : memref<1024xi32, #tpu.memory_space<vmem>>) target(%dma_start3A_30 : memref<1024xi32, #tpu.memory_space<hbm>>) target_semaphore(%run_scoped3A : memref<!tpu.dma_semaphore, #tpu.memory_space<semaphore_mem>>)
      %dma_wait3A = tpu.memref_slice %arg4[%div3A_25, %rem3A_26] : memref<16x4096xi32, #tpu.memory_space<hbm>> -> memref<1x1024xi32, #tpu.memory_space<hbm>>
      %dma_wait3A_31 = tpu.memref_squeeze %dma_wait3A : memref<1x1024xi32, #tpu.memory_space<hbm>> -> memref<1024xi32, #tpu.memory_space<hbm>>
      %dma_wait3A_32 = tpu.memref_slice %arg4[%div3A_25, %rem3A_26] : memref<16x4096xi32, #tpu.memory_space<hbm>> -> memref<1x1024xi32, #tpu.memory_space<hbm>>
      %dma_wait3A_33 = tpu.memref_squeeze %dma_wait3A_32 : memref<1x1024xi32, #tpu.memory_space<hbm>> -> memref<1024xi32, #tpu.memory_space<hbm>>
      tpu.wait_dma2 semaphore(%run_scoped3A : memref<!tpu.dma_semaphore, #tpu.memory_space<semaphore_mem>>) src(%arg8 : memref<1024xi32, #tpu.memory_space<vmem>>) dst(%dma_wait3A_33 : memref<1024xi32, #tpu.memory_space<hbm>>)
      tpu.yield
    }) : () -> ()
    return
  }
}

module attributes {stable_mosaic.version = 14 : i64} {
  func.func @_tc_kernel(%arg0: i32, %arg1: memref<8x256x128xf32, #tpu.memory_space<vmem>>, %arg2: memref<8x256xf32, #tpu.memory_space<vmem>>, %arg3: memref<8x256xi32, #tpu.memory_space<vmem>>) attributes {dimension_semantics = [#tpu.dimension_semantics<arbitrary>], iteration_bounds = array<i64: 16>, scalar_prefetch = 0 : i64, scratch_operands = 0 : i64, tpu.core_type = #tpu.core_type<tc>, window_params = [{transform_indices = @transform_0, window_bounds = array<i64: 8, 256, 128>}, {transform_indices = @transform_1, window_bounds = array<i64: 8, 256>}, {transform_indices = @transform_2, window_bounds = array<i64: 8, 256>}]} {
    %get3A = arith.constant 0 : index
    %get3A_0 = arith.constant 0 : index
    %get3A_1 = arith.constant 0 : index
    %get3A_2 = vector.load %arg1[%get3A, %get3A_0, %get3A_1] : memref<8x256x128xf32, #tpu.memory_space<vmem>>, vector<8x256x128xf32>
    %reshape3A = vector.shape_cast %get3A_2 : vector<8x256x128xf32> to vector<2048x128xf32>
    %mul3A = arith.mulf %reshape3A, %reshape3A : vector<2048x128xf32>
    %abs3A = math.absf %reshape3A : vector<2048x128xf32>
    %broadcast_in_dim3A = arith.constant 1.000000e+00 : f32
    %broadcast_in_dim3A_3 = vector.broadcast %broadcast_in_dim3A : f32 to vector<128x8xf32>
    %dot_general3A = arith.constant dense<0.000000e+00> : vector<2048x8xf32>
    %dot_general3A_4 = tpu.matmul %mul3A, %broadcast_in_dim3A_3, %dot_general3A {dimension_numbers = #tpu.dot_dimension_numbers<[1], [0], [0], [1], [0, 0, 1, 1], [], []>, transpose_lhs_hint = false} : vector<2048x128xf32>, vector<128x8xf32>, vector<2048x8xf32> -> vector<2048x8xf32>
    %slice3A = vector.extract_strided_slice %dot_general3A_4 {offsets = [0, 0], sizes = [2048, 1], strides = [1, 1]} : vector<2048x8xf32> to vector<2048x1xf32>
    %squeeze3A = vector.shape_cast %slice3A : vector<2048x1xf32> to vector<2048xf32>
    %reduce_max3A = arith.constant dense<0xFF800000> : vector<2048xf32>
    %reduce_max3A_5 = vector.multi_reduction <maximumf>, %abs3A, %reduce_max3A [1] : vector<2048x128xf32> to vector<2048xf32>
    %broadcast_in_dim3A_6 = vector.shape_cast %reduce_max3A_5 : vector<2048xf32> to vector<2048x1xf32>
    %eq3A = vector.broadcast %broadcast_in_dim3A_6 : vector<2048x1xf32> to vector<2048x128xf32>
    %eq3A_7 = arith.cmpf oeq, %abs3A, %eq3A : vector<2048x128xf32>
    %jit3A = arith.constant 1.000000e+00 : f32
    %jit3A_8 = arith.constant 0.000000e+00 : f32
    %broadcast_in_dim3A_9 = vector.broadcast %jit3A : f32 to vector<2048x128xf32>
    %broadcast_in_dim3A_10 = vector.broadcast %jit3A_8 : f32 to vector<2048x128xf32>
    %select_n3A = arith.select %eq3A_7, %broadcast_in_dim3A_9, %broadcast_in_dim3A_10 : vector<2048x128xi1>, vector<2048x128xf32>
    %iota3A = tpu.iota {dimensions = array<i32: 0>} : vector<128x128xi32>
    %iota3A_11 = tpu.iota {dimensions = array<i32: 1>} : vector<128x128xi32>
    %le3A = arith.cmpi sle, %iota3A, %iota3A_11 : vector<128x128xi32>
    %convert_element_type3A = arith.extui %le3A : vector<128x128xi1> to vector<128x128xi32>
    %convert_element_type3A_12 = arith.sitofp %convert_element_type3A : vector<128x128xi32> to vector<128x128xf32>
    %dot_general3A_13 = arith.constant dense<0.000000e+00> : vector<2048x128xf32>
    %dot_general3A_14 = tpu.matmul %select_n3A, %convert_element_type3A_12, %dot_general3A_13 {dimension_numbers = #tpu.dot_dimension_numbers<[1], [0], [0], [1], [0, 0, 1, 1], [], []>, transpose_lhs_hint = false} : vector<2048x128xf32>, vector<128x128xf32>, vector<2048x128xf32> -> vector<2048x128xf32>
    %sub3A = arith.constant 2.000000e+00 : f32
    %sub3A_15 = vector.broadcast %sub3A : f32 to vector<2048x128xf32>
    %sub3A_16 = arith.subf %sub3A_15, %dot_general3A_14 : vector<2048x128xf32>
    %mul3A_17 = arith.mulf %select_n3A, %sub3A_16 : vector<2048x128xf32>
    %iota3A_18 = tpu.iota {dimensions = array<i32: 1>} : vector<2048x128xi32>
    %convert_element_type3A_19 = arith.sitofp %iota3A_18 : vector<2048x128xi32> to vector<2048x128xf32>
    %mul3A_20 = arith.constant 2.000000e+00 : f32
    %mul3A_21 = vector.broadcast %mul3A_20 : f32 to vector<2048x128xf32>
    %mul3A_22 = arith.mulf %mul3A_21, %convert_element_type3A_19 : vector<2048x128xf32>
    %lt3A = arith.constant 0.000000e+00 : f32
    %lt3A_23 = vector.broadcast %lt3A : f32 to vector<2048x128xf32>
    %lt3A_24 = arith.cmpf olt, %reshape3A, %lt3A_23 : vector<2048x128xf32>
    %jit3A_25 = arith.constant 1.000000e+00 : f32
    %jit3A_26 = arith.constant 0.000000e+00 : f32
    %broadcast_in_dim3A_27 = vector.broadcast %jit3A_25 : f32 to vector<2048x128xf32>
    %broadcast_in_dim3A_28 = vector.broadcast %jit3A_26 : f32 to vector<2048x128xf32>
    %select_n3A_29 = arith.select %lt3A_24, %broadcast_in_dim3A_27, %broadcast_in_dim3A_28 : vector<2048x128xi1>, vector<2048x128xf32>
    %add3A = arith.addf %mul3A_22, %select_n3A_29 : vector<2048x128xf32>
    %mul3A_30 = arith.mulf %mul3A_17, %add3A : vector<2048x128xf32>
    %dot_general3A_31 = arith.constant dense<0.000000e+00> : vector<2048x8xf32>
    %dot_general3A_32 = tpu.matmul %mul3A_30, %broadcast_in_dim3A_3, %dot_general3A_31 {dimension_numbers = #tpu.dot_dimension_numbers<[1], [0], [0], [1], [0, 0, 1, 1], [], []>, transpose_lhs_hint = false} : vector<2048x128xf32>, vector<128x8xf32>, vector<2048x8xf32> -> vector<2048x8xf32>
    %slice3A_33 = vector.extract_strided_slice %dot_general3A_32 {offsets = [0, 0], sizes = [2048, 1], strides = [1, 1]} : vector<2048x8xf32> to vector<2048x1xf32>
    %squeeze3A_34 = vector.shape_cast %slice3A_33 : vector<2048x1xf32> to vector<2048xf32>
    %add3A_35 = arith.constant 1.000000e+00 : f32
    %add3A_36 = vector.broadcast %add3A_35 : f32 to vector<2048xf32>
    %add3A_37 = arith.addf %squeeze3A, %add3A_36 : vector<2048xf32>
    %mul3A_38 = arith.constant 2.000000e+00 : f32
    %mul3A_39 = vector.broadcast %mul3A_38 : f32 to vector<2048xf32>
    %mul3A_40 = arith.mulf %mul3A_39, %reduce_max3A_5 : vector<2048xf32>
    %sub3A_41 = arith.subf %add3A_37, %mul3A_40 : vector<2048xf32>
    %reshape3A_42 = vector.shape_cast %sub3A_41 : vector<2048xf32> to vector<8x256xf32>
    %swap3A = arith.constant 0 : index
    %swap3A_43 = arith.constant 0 : index
    %swap3A_44 = vector.load %arg2[%swap3A, %swap3A_43] : memref<8x256xf32, #tpu.memory_space<vmem>>, vector<8x256xf32>
    tpu.vector_store %arg2[%swap3A, %swap3A_43], %reshape3A_42 {strides = array<i32>} : memref<8x256xf32, #tpu.memory_space<vmem>>, vector<8x256xf32>,
    %convert_element_type3A_45 = arith.fptosi %squeeze3A_34 : vector<2048xf32> to vector<2048xi32>
    %reshape3A_46 = vector.shape_cast %convert_element_type3A_45 : vector<2048xi32> to vector<8x256xi32>
    %swap3A_47 = arith.constant 0 : index
    %swap3A_48 = arith.constant 0 : index
    %swap3A_49 = vector.load %arg3[%swap3A_47, %swap3A_48] : memref<8x256xi32, #tpu.memory_space<vmem>>, vector<8x256xi32>
    tpu.vector_store %arg3[%swap3A_47, %swap3A_48], %reshape3A_46 {strides = array<i32>} : memref<8x256xi32, #tpu.memory_space<vmem>>, vector<8x256xi32>,
    return
  }
  func.func @transform_0(%arg0: i32) -> (i32, i32, i32) {
    %c1_i32 = arith.constant 1 : i32
    %c0_i32 = arith.constant 0 : i32
    %c0_i32_0 = arith.constant 0 : i32
    return %c1_i32, %arg0, %c0_i32 : i32, i32, i32
  }
  func.func @transform_1(%arg0: i32) -> (i32, i32) {
    %c0_i32 = arith.constant 0 : i32
    %c0_i32_0 = arith.constant 0 : i32
    return %c0_i32, %arg0 : i32, i32
  }
  func.func @transform_2(%arg0: i32) -> (i32, i32) {
    %c0_i32 = arith.constant 0 : i32
    %c0_i32_0 = arith.constant 0 : i32
    return %c0_i32, %arg0 : i32, i32
  }
}

module attributes {stable_mosaic.version = 14 : i64} {
  func.func @_merge_kernel(%arg0: i32, %arg1: memref<16x4096xf32, #tpu.memory_space<any>>, %arg2: memref<16x4096xi32, #tpu.memory_space<any>>, %arg3: memref<8x2048xf32, #tpu.memory_space<vmem>>, %arg4: memref<8x2048xi32, #tpu.memory_space<vmem>>, %arg5: memref<8x2048xf32, #tpu.memory_space<vmem>>, %arg6: memref<8x2048xi32, #tpu.memory_space<vmem>>) attributes {dimension_semantics = [#tpu.dimension_semantics<arbitrary>], iteration_bounds = array<i64: 2>, scalar_prefetch = 0 : i64, scratch_operands = 0 : i64, tpu.core_type = #tpu.core_type<tc>, window_params = [{}, {}, {transform_indices = @transform_2, window_bounds = array<i64: 8, 2048>}, {transform_indices = @transform_3, window_bounds = array<i64: 8, 2048>}, {transform_indices = @transform_4, window_bounds = array<i64: 8, 2048>}, {transform_indices = @transform_5, window_bounds = array<i64: 8, 2048>}]} {
    %get3A = arith.constant 0 : index
    %get3A_0 = arith.constant 0 : index
    %get3A_1 = vector.load %arg3[%get3A, %get3A_0] : memref<8x2048xf32, #tpu.memory_space<vmem>>, vector<8x2048xf32>
    %swap3A = arith.constant 0 : index
    %swap3A_2 = arith.constant 0 : index
    %swap3A_3 = vector.load %arg5[%swap3A, %swap3A_2] : memref<8x2048xf32, #tpu.memory_space<vmem>>, vector<8x2048xf32>
    tpu.vector_store %arg5[%swap3A, %swap3A_2], %get3A_1 {strides = array<i32>} : memref<8x2048xf32, #tpu.memory_space<vmem>>, vector<8x2048xf32>,
    %get3A_4 = arith.constant 0 : index
    %get3A_5 = arith.constant 0 : index
    %get3A_6 = vector.load %arg4[%get3A_4, %get3A_5] : memref<8x2048xi32, #tpu.memory_space<vmem>>, vector<8x2048xi32>
    %swap3A_7 = arith.constant 0 : index
    %swap3A_8 = arith.constant 0 : index
    %swap3A_9 = vector.load %arg6[%swap3A_7, %swap3A_8] : memref<8x2048xi32, #tpu.memory_space<vmem>>, vector<8x2048xi32>
    tpu.vector_store %arg6[%swap3A_7, %swap3A_8], %get3A_6 {strides = array<i32>} : memref<8x2048xi32, #tpu.memory_space<vmem>>, vector<8x2048xi32>,
    return
  }
  func.func @transform_2(%arg0: i32) -> (i32, i32) {
    %c0_i32 = arith.constant 0 : i32
    %c0_i32_0 = arith.constant 0 : i32
    return %c0_i32, %arg0 : i32, i32
  }
  func.func @transform_3(%arg0: i32) -> (i32, i32) {
    %c0_i32 = arith.constant 0 : i32
    %c0_i32_0 = arith.constant 0 : i32
    return %c0_i32, %arg0 : i32, i32
  }
  func.func @transform_4(%arg0: i32) -> (i32, i32) {
    %c1_i32 = arith.constant 1 : i32
    %c0_i32 = arith.constant 0 : i32
    return %c1_i32, %arg0 : i32, i32
  }
  func.func @transform_5(%arg0: i32) -> (i32, i32) {
    %c1_i32 = arith.constant 1 : i32
    %c0_i32 = arith.constant 0 : i32
    return %c1_i32, %arg0 : i32, i32
  }
}

</mosaic_0001>

<sc_bundles>
// kernel: kernel.5.cloned.1.call-start
scs
__scs_entry_jumppad:
0x0: {  	(pc) =	sbr.rel $0x88, $3  }
0x1: {  	(tag) =	ssettag $0x0;
	lr =	simm.s32 $0x1  }
0x2: {  	[smem:$0x3FA0] =	sst lr;
	_ =	strace $0xD0000000  }
0x3: {  	_ = 	snop  }
0x4: {  	_ = 	snop  }
0x5: {  	_ = 	snop  }
0x6: {  	_ = 	snop  }
0x7: {  	_ = 	snop  }
__scs_overlays_trampoline_lowered:
0x8: {  	[smem:$0x3FAF] =	sst s0  }
0x9: {  	[smem:$0x3FB0] =	sst s1  }
0xa: {  	[smem:$0x3FB1] =	sst s2  }
0xb: {  	[smem:$0x3FB2] =	sst s3  }
0xc: {  	[smem:$0x3FB3] =	sst s4  }
0xd: {  	[smem:$0x3FB4] =	sst s5  }
0xe: {  	[smem:$0x3FB5] =	sst s6  }
0xf: {  	[smem:$0x3FB6] =	sst s7  }
0x10: {  	[smem:$0x3FB7] =	sst s8  }
0x11: {  	[smem:$0x3FB8] =	sst s9;
	s0 =	simm.s32 @!p0 $0x0  }
0x12: {  	s1 =	sld [smem:$0x3F9E];
	s0 =	simm.s32 @p0 $0x1  }
0x13: {  	[smem:$0x3FB9] =	sst s0;
	s0 =	simm.s32 @!p1 $0x0  }
0x14: {  	s2 =	sld [smem:$0x3F9D];
	s0 =	simm.s32 @p1 $0x1  }
0x15: {  	[smem:$0x3FBA] =	sst s0;
	s0 =	simm.s32 @!p2 $0x0  }
0x16: {  	s3 =	sld [smem:$0x3FDB];
	s0 =	simm.s32 @p2 $0x1  }
0x17: {  	s4 =	simm.s32 $0x1BF5;
	[smem:$0x3FBC] =	sst s0  }
0x18: {  	s0 =	sld [smem:$0x3F9F];
	_ =	swait.ge [sflag:s4], $0x0  }
0x19: {  	s7 =	sld [smem:$0x3FA0]  }
0x1a: {  	s8 =	sadd.s32 $0xFFFFE003, lr  }
0x1b: {  	s9 =	sadd.s32 $0xFFFFFEF7, lr;
	s5 =	simm.s32 $0xFFFFFFFF;
	p2 =	slt.u32 s8, $0xFFFFF086  }
0x1c: {  	p1 =	slt.u32 s9, $0xF7A;
	s5 =	simm.s32 @!p2 $0x0  }
0x1d: {  	s5 =	simm.s32 @p1 $0x1;
	p0 =	seq.s32 s7, s2  }
0x1e: {  	s7 =	smul.u32 @!p0 $0xF7A, s2;
	p2 =	seq.s32 @!p0 s5, $0x0  }
0x1f: {  	s9 =	smul.u32 $0xF7A, s1;
	s8 =	simm.s32 @!p0 $0x1BF5;
	p2 =	por !p2, p0  }
0x20: {  	[sflag:s8] =	ssyncset.s32 @!p0 $0xFFFFF086;
	s6 =	sadd.s32 @!p0 s3, s7;
	s7 =	simm.s32 @!p0 $0x108  }
0x21: {  	s3 =	sadd.s32 s3, s9;
	s6 =	sadd.s32 @!p0 $0x88, s6;
	s7 =	simm.s32 @p2 $0x1082  }
0x22: {  	[simem:s7], [sflag:s8] =	dma.local @!p0 [hbm:s6], $0xF7A  }
0x23: {  	s9 =	sor.u32 $0xD0000000, s2;
	s6 =	simm.s32 $0x108;
	_ =	swait.ge @!p0 [sflag:s8], $0x0  }
0x24: {  	s3 =	sadd.s32 $0x88, s3;
	s6 =	simm.s32 @!p1 $0x1082;
	[sflag:s4] =	ssyncset.s32 $0xFFFFF086  }
0x25: {  	[simem:s6], [sflag:s4] =	dma.local [hbm:s3], $0xF7A  }
0x26: {  	[smem:$0x3FA0] =	sst s1;
	(tag) =	ssettag s2;
	_ =	strace s9  }
0x27: {  	s1 =	sld [smem:$0x3FB0]  }
0x28: {  	s2 =	sld [smem:$0x3FB1]  }
0x29: {  	s4 =	sld [smem:$0x3FB3]  }
0x2a: {  	p0 =	seq.s32 s5, $0x0;
	s5 =	sld [smem:$0x3FB4]  }
0x2b: {  	s6 =	sld [smem:$0x3FB5]  }
0x2c: {  	s7 =	sld [smem:$0x3FB6]  }
0x2d: {  	s3 =	simm.s32 $0x108;
	s8 =	sld [smem:$0x3FB7]  }
0x2e: {  	s3 =	simm.s32 @!p0 $0x1082;
	s9 =	sld [smem:$0x3FB8]  }
0x2f: {  	lr =	sadd.s32 s0, s3;
	s0 =	sld [smem:$0x3FAF]  }
0x30: {  	s3 =	sld [smem:$0x3FB2]  }
0x31: {  	[smem:$0x3FBB] =	sst s10  }
0x32: {  	s10 =	sld [smem:$0x3FB9];
	_ =	sdelay $0x3  }
0x33: {  	p0 =	seq.s32 s10, $0x1;
	s10 =	sld [smem:$0x3FBB];
	_ =	sdelay $0x3  }
0x34: {  	[smem:$0x3FBB] =	sst s10  }
0x35: {  	s10 =	sld [smem:$0x3FBA];
	_ =	sdelay $0x3  }
0x36: {  	p1 =	seq.s32 s10, $0x1;
	s10 =	sld [smem:$0x3FBB];
	_ =	sdelay $0x3  }
0x37: {  	[smem:$0x3FBB] =	sst s10  }
0x38: {  	s10 =	sld [smem:$0x3FBC]  }
0x39: {  	_ = 	snop;
	(pc) =	sbr.ind lr, $3  }
0x3a: {  	_ = 	snop  }
0x3b: {  	_ = 	snop  }
0x3c: {  	p2 =	seq.s32 s10, $0x1;
	s10 =	sld [smem:$0x3FBB]  }
0x3d: {  	_ =	shalt  }
0x3e: {  	_ =	shalt  }
0x3f: {  	_ =	shalt  }
0x40: {  	_ =	shalt  }
0x41: {  	_ =	shalt  }
0x42: {  	_ =	shalt  }
0x43: {  	_ =	shalt  }
0x44: {  	_ =	shalt  }
0x45: {  	_ =	shalt  }
0x46: {  	_ =	shalt  }
0x47: {  	_ =	shalt  }
0x48: {  	_ =	shalt  }
0x49: {  	_ =	shalt  }
0x4a: {  	_ =	shalt  }
0x4b: {  	_ =	shalt  }
0x4c: {  	_ =	shalt  }
0x4d: {  	_ =	shalt  }
0x4e: {  	_ =	shalt  }
0x4f: {  	_ =	shalt  }
0x50: {  	_ =	shalt  }
0x51: {  	_ =	shalt  }
0x52: {  	_ =	shalt  }
0x53: {  	_ =	shalt  }
0x54: {  	_ =	shalt  }
0x55: {  	_ =	shalt  }
0x56: {  	_ =	shalt  }
0x57: {  	_ =	shalt  }
0x58: {  	_ =	shalt  }
0x59: {  	_ =	shalt  }
0x5a: {  	_ =	shalt  }
0x5b: {  	_ =	shalt  }
0x5c: {  	_ =	shalt  }
0x5d: {  	_ =	shalt  }
0x5e: {  	_ =	shalt  }
0x5f: {  	_ =	shalt  }
0x60: {  	_ =	shalt  }
0x61: {  	_ =	shalt  }
0x62: {  	_ =	shalt  }
0x63: {  	_ =	shalt  }
0x64: {  	_ =	shalt  }
0x65: {  	_ =	shalt  }
0x66: {  	_ =	shalt  }
0x67: {  	_ =	shalt  }
0x68: {  	_ =	shalt  }
0x69: {  	_ =	shalt  }
0x6a: {  	_ =	shalt  }
0x6b: {  	_ =	shalt  }
0x6c: {  	_ =	shalt  }
0x6d: {  	_ =	shalt  }
0x6e: {  	_ =	shalt  }
0x6f: {  	_ =	shalt  }
0x70: {  	_ =	shalt  }
0x71: {  	_ =	shalt  }
0x72: {  	_ =	shalt  }
0x73: {  	_ =	shalt  }
0x74: {  	_ =	shalt  }
0x75: {  	_ =	shalt  }
0x76: {  	_ =	shalt  }
0x77: {  	_ =	shalt  }
0x78: {  	_ =	shalt  }
0x79: {  	_ =	shalt  }
0x7a: {  	_ =	shalt  }
0x7b: {  	_ =	shalt  }
0x7c: {  	_ =	shalt  }
0x7d: {  	_ =	shalt  }
0x7e: {  	_ =	shalt  }
0x7f: {  	_ =	shalt  }
0x80: {  	_ =	shalt  }
0x81: {  	_ =	shalt  }
0x82: {  	_ =	shalt  }
0x83: {  	_ =	shalt  }
0x84: {  	_ =	shalt  }
0x85: {  	_ =	shalt  }
0x86: {  	_ =	shalt  }
0x87: {  	_ =	shalt  }
.Lfunc_end0:
.L_simem_size_0:
called_computation_lowered:
.L_overlay_start_0:
0x88: {  	s2 =	sld [smem:$0x3FD9]  }
0x89: {  	s3 =	sld [smem:$0x3FFE];
	_ =	sdelay $0x1  }
0x8a: {  	s1 =	srdreg.scid  }
0x8b: {  	s0 =	sand.u32 $0x1, s1  }
0x8c: {  	s15 =	sshll.u32 s0, $0xA;
	s2 =	sadd.s32 s3, s2  }
0x8d: {  	s2 =	sadd.s32 s2, s15  }
0x8e: {  	[smem:$0x3FC7] =	sst s2  }
0x8f: {  	_ = 	snop  }
0x90: {  	s2 =	sld [smem:$0x3FD0];
	_ =	sdelay $0x2  }
0x91: {  	s4 =	simm.s32 $0xA;
	s5 =	simm.s32 $0x10;
	s16 =	sld [smem:$0x3FC9]  }
0x92: {  	[smem:s5], [sflag:s4] =	dma.local [hbm:s2], $0x1  }
0x93: {  	_ =	swait.eq [sflag:s4], $0x1  }
0x94: {  	[sflag:s4] =	ssyncset.done $0x0  }
0x95: {  	s17 =	sld [smem:$0x10];
	[sflag:s4] =	ssyncadd.s32 $0xFFFFFFFF  }
0x96: {  	s18 =	sld [smem:$0x11];
	(tm) =	ssettm $0x1  }
0x97: {  	s19 =	sld [smem:$0x3FFB];
	_ =	sdelay $0x3  }
0x98: {  	_ =	strace s19  }
0x99: {  	s5 =	sld [smem:$0x3FFC];
	_ =	sdelay $0x3  }
0x9a: {  	_ =	strace s5  }
0x9b: {  	s5 =	sld [smem:$0x3FFD];
	_ =	sdelay $0x3  }
0x9c: {  	_ =	strace s5  }
0x9d: {  	_ =	strace $0x8FFFFFFF  }
0x9e: {  	s20 =	sld [smem:$0x3FDB];
	_ =	sdelay $0x1  }
0x9f: {  	s6 =	simm.s32 $_scs_section_size  }
0xa0: {  	s7 =	simm.s32 $_size__tile_overlayer_lowered;
	s8 =	simm.s32 $_tile_overlayer_lowered  }
0xa1: {  	s23 =	simm.s32 $0x1BFF;
	s22 =	sshll.u32 s8, $0x1;
	s5 =	sadd.s32 s6, s20  }
0xa2: {  	s9 =	simm.s32 $0x0;
	s21 =	sshll.u32 s7, $0x1;
	s7 =	sadd.s32 s22, s5  }
0xa3: {  	[timem:s9], [sflag:s23] =	dma.local [hbm:s7], s21  }
0xa4: {  	_ =	swait.ge [sflag:s23], s21  }
0xa5: {  	s6 =	ssub.s32 $0x0, s21;
	[sflag:s23] =	ssyncset.done $0x0  }
0xa6: {  	[sflag:s23] =	ssyncadd.s32 s6;
	_ =	sdelay $0x1  }
0xa7: {  	s24 =	simm.s32 $0x1B8B  }
0xa8: {  	_ =	swait.ge [sflag:s24], $0x1  }
0xa9: {  	[sflag:s24] =	ssyncset.done $0x0  }
0xaa: {  	s25 =	simm.s32 $0x1B8E;
	[sflag:s24] =	ssyncadd.s32 $0xFFFFFFFF  }
0xab: {  	s26 =	simm.s32 $execute0_lowered;
	[smem:$0x3FD2] =	sst s25  }
0xac: {  	s6 =	sshll.u32 s26, $0x1;
	_ =	strace $0x80000046;
	[dreg:$0x1] =	wrdreg $0xFFFFFFFF  }
0xad: {  	s28 =	simm.s32 $_size_execute0_lowered;
	s5 =	sadd.s32 s5, s6;
	[dreg:$0x0] =	wrdreg $0x0  }
0xae: {  	s6 =	sshll.u32 s28, $0x1;
	[dreg:$0x2] =	wrdreg s5  }
0xaf: {  	[dreg:$0x3] =	wrdreg s6  }
0xb0: {  	[dreg:$0x4] =	wrdreg $0xC0  }
0xb1: {  	_ =	task [dreg:s9], $0x5FFFF  }
0xb2: {  	[dreg:$0x1] =	wrdreg $0xFFFFFFFF  }
0xb3: {  	[dreg:$0x0] =	wrdreg $0x60  }
0xb4: {  	[dreg:$0x2] =	wrdreg s16  }
0xb5: {  	[dreg:$0x3] =	wrdreg s17  }
0xb6: {  	[dreg:$0x4] =	wrdreg s18  }
0xb7: {  	[dreg:$0x5] =	wrdreg $0x9  }
0xb8: {  	_ =	task.clear_ibuf [dreg:s9], $0x6FFFF;
	_ =	strace $0x90000046  }
0xb9: {  	s29 =	simm.s32 $0x9;
	_ =	strace $0x80000048  }
0xba: {  	_ =	swait.ge [sflag:s29], $0x1  }
0xbb: {  	[sflag:s29] =	ssyncadd.s32 $0xFFFFFFFF  }
0xbc: {  	_ =	strace $0x90000048  }
0xbd: {  	_ =	sfence  }
0xbe: {  	s30 =	sld [smem:$0x0];
	_ =	sdelay $0x2  }
0xbf: {  	s31 =	sshll.u32 s1, $0xD;
	s1 =	sshrl.u32 s1, $0x2  }
0xc0: {  	s3 =	sand.u32 $0x4000, s31;
	s1 =	sadd.s32 s1, s30  }
0xc1: {  	s0 =	sor.u32 s3, s0;
	s1 =	sshll.u32 s1, $0x11  }
0xc2: {  	s0 =	sor.u32 s1, s0  }
0xc3: {  	s0 =	sadd.s32 $0x8F2B, s0  }
0xc4: {  	[sflag:s0] =	ssyncadd.remote.s32 $0x1  }
0xc5: {  	_ =	sfence.sel $0xFFFF  }
0xc6: {  	[dreg:$0x0] =	wrdreg $0xFFFFFFFF;
	(pc) =	sbr.abs _section_cstart, $3  }
0xc7: {  	[dreg:$0x1] =	wrdreg $0xFFFFFFFF  }
0xc8: {  	_ =	task.clear_ibuf [dreg:s9], $0x2FFFF;
	_ =	strace $0x9FFFFFFF  }
0xc9: {  	(tm) =	ssettm $0x7FFFFFFF  }
tec
execute0_lowered:
.L_overlay_start_1:
0x0: {  	(tag) =	ssettag $0x1  }
0x1: {  	s3 =	rddreg [dreg:$0x0]  }
0x2: {  	s4 =	rddreg [dreg:$0x1]  }
0x3: {  	s5 =	rddreg [dreg:$0x2]  }
0x4: {  	s0 =	rddreg [dreg:$0x3];
	s2 =	simm.s32 $0x0;
	s6 =	srdreg.scid  }
0x5: {  	s1 =	stileid.u32;
	s11 =	simm.s32 $0x10C00;
	s12 =	simm.s32 $0x0  }
0x6: {  	[smem:$0x7FF] =	sst s2;
	s6 =	sand.u32 $0x1, s6;
	s7 =	sshll.u32 s1, $0x1  }
0x7: {  	s9 =	sshll.u32 s1, $0x3;
	s7 =	sor.u32 s6, s7;
	s6 =	ssub.s32 $0x2, s6  }
0x8: {  	_ =	strace $0x80000047;
	s8 =	sshll.u32 s7, $0xA;
	s10 =	sshrl.u32 s6, $0x1  }
0x9: {  	s7 =	sshll.u32 s7, $0xE;
	s8 =	sor.u32 s9, s8;
	s6 =	ssub.s32 s6, s10  }
0xa: {  	s3 =	sadd.s32 s3, s7;
	s7 =	simm.s32 $0x80;
	s9 =	simm.s32 $0x10800  }
0xb: {  	v0 =	vlaneseq.u32;
	s10 =	simm.s32 $0x3;
	s31 =	sand.u32 $0xC70, s8;
	s6 =	smax.u32 s6, $0x1  }
0xc: {  	v1 =	vmul.u32 $0x80, v0;
	s8 =	simm.s32 $0x400;
	s4 =	sadd.s32 s4, s31;
	s5 =	sadd.s32 s5, s31  }
.LBB2_1:
0xd: {  	v2 =	vadd.s32 s2, v0  }
0xe: {  	s13 =	simm.s32 $0x10000;
	v2 =	vand.u32 $0x7F, v2  }
0xf: {  	s14 =	simm.s32 $0x1;
	[tilespmem:s13+$0x0] =	vst v2  }
.LBB2_2:
0x10: {  	p0 =	sne.s32 s14, $0x7F  }
.Ltmp0:
0x11: {  	_ = 	snop;
	(pc) =	sbr.rel @p0 .LBB2_2-.Ltmp0, $4  }
0x12: {  	_ = 	snop  }
0x13: {  	v2 =	vadd.s32 s14, v0;
	s14 =	sadd.s32 $0x1, s14  }
0x14: {  	s13 =	sadd.s32 $0x10, s13;
	v2 =	vand.u32 $0x7F, v2  }
0x15: {  	[tilespmem:s13+$0x0] =	vst v2  }
0x16: {  	s15 =	simm.s32 $0x0;
	s13 =	simm.s32 $0x10800;
	s14 =	simm.s32 $0x10C00  }
0x17: {  	[tilespmem:s15], [sflag:$0x1] =	stream.linear.gather [hbm4b:s3+s15], $0x8000, $0x38;
	[tilespmem:$0x11000] =	vst v63  }
.LBB2_5:
0x18: {  	s16 =	sand.u32 $0x1, s15  }
0x19: {  	p0 =	seq.s32 s16, $0x1  }
0x1a: {  	s17 =	simm.s32 @p0 $0x2;
	p1 =	seq.s32 @p0 s15, $0x3  }
0x1b: {  	s15 =	sadd.s32 $0x1, s15;
	_ =	swait.ge @p0 [sflag:s17], $0x8000;
	p1 =	por p1, !p0  }
0x1c: {  	[sflag:s17] =	ssyncset.done @p0 $0x0;
	s18 =	sshll.u32 @!p1 s15, $0xC  }
0x1d: {  	[sflag:s17] =	ssyncadd.s32 @p0 $0xFFFF8000;
	s17 =	sadd.s32 @!p1 s18, s3;
	s18 =	simm.s32 @!p1 $0x0  }
0x1e: {  	[tilespmem:s18], [sflag:$0x1] =	stream.linear.gather @!p1 [hbm4b:s17+s18], $0x8000, $0x38;
	[tilespmem:$0x11000] =	vst v63  }
0x1f: {  	s17 =	simm.s32 @!p0 $0x1  }
0x20: {  	_ =	swait.ge @!p0 [sflag:s17], $0x8000  }
0x21: {  	[sflag:s17] =	ssyncset.done @!p0 $0x0  }
0x22: {  	s16 =	sshll.u32 s16, $0xF;
	[sflag:s17] =	ssyncadd.s32 @!p0 $0xFFFF8000;
	s17 =	sshll.u32 @!p0 s15, $0xC  }
0x23: {  	s19 =	simm.s32 @!p0 $0x8000;
	s18 =	simm.s32 @!p0 $0x0;
	s17 =	sadd.s32 @!p0 s17, s3  }
0x24: {  	[tilespmem:s19], [sflag:$0x2] =	stream.linear.gather @!p0 [hbm4b:s17+s18], $0x8000, $0x38;
	[tilespmem:$0x11000] =	vst v63  }
0x25: {  	v2 =	vmov s16;
	s16 =	smov.u32 s14;
	s17 =	smov.u32 s13;
	s18 =	simm.s32 $0x0  }
.LBB2_6:
0x26: {  	v4 =	vld [tilespmem:$0x10000]  }
0x27: {  	v5 =	vld [tilespmem:$0x10010]  }
0x28: {  	v6 =	vld [tilespmem:$0x10020]  }
0x29: {  	v9 =	vld [tilespmem:$0x10030]  }
0x2a: {  	v3 =	vmov s18;
	v11 =	vld [tilespmem:$0x10040]  }
0x2b: {  	v12 =	vld [tilespmem:$0x10050];
	v3 =	vshll.u32 v3, $0x7  }
0x2c: {  	v14 =	vld [tilespmem:$0x10060];
	v3 =	vor.u32 v1, v3  }
0x2d: {  	v16 =	vld [tilespmem:$0x10070];
	v3 =	vadd.s32 v2, v3  }
0x2e: {  	v18 =	vld [tilespmem:$0x10080];
	v7 =	vadd.s32 v3, v4  }
0x2f: {  	v20 =	vld [tilespmem:$0x10090];
	v8 =	vadd.s32 v3, v5  }
0x30: {  	v22 =	vld [tilespmem:$0x100A0]  }
0x31: {  	v25 =	vld [tilespmem:$0x100B0];
	v10 =	vadd.s32 v3, v6  }
0x32: {  	v27 =	vld [tilespmem:$0x100C0]  }
0x33: {  	v13 =	vadd.s32 v3, v9;
	v7 =	vld.idx.msk [tilespmem:v7+s2+$0x0], $0xffff  }
0x34: {  	v8 =	vld.idx.msk [tilespmem:v8+s2+$0x0], $0xffff  }
0x35: {  	v30 =	vld [tilespmem:$0x100D0];
	v15 =	vadd.s32 v3, v11  }
0x36: {  	v17 =	vadd.s32 v3, v12;
	v10 =	vld.idx.msk [tilespmem:v10+s2+$0x0], $0xffff  }
0x37: {  	v32 =	vld [tilespmem:$0x100E0];
	v19 =	vadd.s32 v3, v14  }
0x38: {  	v21 =	vadd.s32 v3, v16;
	v13 =	vld.idx.msk [tilespmem:v13+s2+$0x0], $0xffff  }
0x39: {  	v34 =	vld [tilespmem:$0x10120];
	v24 =	vadd.s32 v3, v18;
	v7 =	vmul.f32 v7, v7;
	v8 =	vmul.f32 v8, v8  }
0x3a: {  	v26 =	vadd.s32 v3, v20;
	v15 =	vld.idx.msk [tilespmem:v15+s2+$0x0], $0xffff  }
0x3b: {  	v28 =	vadd.s32 v3, v22;
	v17 =	vld.idx.msk [tilespmem:v17+s2+$0x0], $0xffff;
	v10 =	vmul.f32 v10, v10;
	vm1 =	vgt.f32 v8, v7  }
0x3c: {  	v29 =	vadd.s32 v3, v25;
	v19 =	vld.idx.msk [tilespmem:v19+s2+$0x0], $0xffff;
	v23 =	vsel vm1, v8, v7  }
0x3d: {  	v31 =	vadd.s32 v3, v27;
	v21 =	vld.idx.msk [tilespmem:v21+s2+$0x0], $0xffff;
	v13 =	vmul.f32 v13, v13;
	vm2 =	vgt.f32 v10, v23  }
0x3e: {  	v33 =	vadd.s32 v3, v30;
	v24 =	vld.idx.msk [tilespmem:v24+s2+$0x0], $0xffff;
	v23 =	vsel vm2, v10, v23  }
0x3f: {  	v26 =	vld.idx.msk [tilespmem:v26+s2+$0x0], $0xffff;
	v15 =	vmul.f32 v15, v15;
	vm5 =	vgt.f32 v13, v23  }
0x40: {  	v28 =	vld.idx.msk [tilespmem:v28+s2+$0x0], $0xffff;
	v23 =	vsel vm5, v13, v23  }
0x41: {  	v29 =	vld.idx.msk [tilespmem:v29+s2+$0x0], $0xffff;
	v17 =	vmul.f32 v17, v17;
	vm6 =	vgt.f32 v15, v23  }
0x42: {  	v43 =	vld.idx.msk [tilespmem:v31+s2+$0x0], $0xffff;
	v23 =	vsel vm6, v15, v23  }
0x43: {  	v48 =	vld.idx.msk [tilespmem:v33+s2+$0x0], $0xffff;
	v19 =	vmul.f32 v19, v19;
	vm4 =	vgt.f32 v17, v23  }
0x44: {  	v44 =	vadd.s32 v3, v32;
	v33 =	vld [tilespmem:$0x10130];
	v23 =	vsel vm4, v17, v23  }
0x45: {  	v55 =	vadd.s32 v3, v34;
	v21 =	vmul.f32 v21, v21;
	vm3 =	vgt.f32 v19, v23  }
0x46: {  	v24 =	vmul.f32 v24, v24;
	v7 =	vadd.f32 v8, v7;
	v39 =	vsel vm3, v19, v23;
	v23 =	vld [tilespmem:$0x100F0]  }
0x47: {  	v42 =	vmul.f32 v26, v26;
	v46 =	vmul.f32 v28, v28;
	v8 =	vld [tilespmem:$0x10100];
	vm0 =	vgt.f32 v21, v39  }
0x48: {  	v31 =	vld [tilespmem:$0x10140];
	v49 =	vmul.f32 v29, v29;
	v40 =	vadd.f32 v10, v7;
	v41 =	vsel vm0, v21, v39  }
0x49: {  	v52 =	vmul.f32 v43, v43;
	v57 =	vadd.s32 v3, v33;
	vm13 =	vgt.f32 v24, v41  }
0x4a: {  	v4 =	vsel vm1, v5, v4;
	v7 =	vld [tilespmem:$0x10110];
	v5 =	vadd.f32 v13, v40;
	v45 =	vsel vm13, v24, v41  }
0x4b: {  	v51 =	vld.idx.msk [tilespmem:v44+s2+$0x0], $0xffff;
	v4 =	vsel vm2, v6, v4;
	vm14 =	vgt.f32 v42, v45;
	v47 =	vadd.s32 v3, v23  }
0x4c: {  	v28 =	vld [tilespmem:$0x10170];
	v50 =	vadd.s32 v3, v8;
	v5 =	vadd.f32 v15, v5;
	v6 =	vsel vm14, v42, v45  }
0x4d: {  	v61 =	vld.idx.msk [tilespmem:v55+s2+$0x0], $0xffff;
	v59 =	vadd.s32 v3, v31;
	v4 =	vsel vm5, v9, v4;
	vm15 =	vgt.f32 v46, v6  }
0x4e: {  	v29 =	vld [tilespmem:$0x10180];
	v4 =	vsel vm6, v11, v4;
	v5 =	vadd.f32 v17, v5;
	v6 =	vsel vm15, v46, v6  }
0x4f: {  	v53 =	vadd.s32 v3, v7;
	v4 =	vsel vm4, v12, v4;
	v12 =	vld [tilespmem:$0x10150];
	vm12 =	vgt.f32 v49, v6  }
0x50: {  	v9 =	vmul.f32 v48, v48;
	v5 =	vadd.f32 v19, v5;
	v6 =	vsel vm12, v49, v6;
	v54 =	vld.idx.msk [tilespmem:v47+s2+$0x0], $0xffff  }
0x51: {  	v40 =	vadd.s32 v3, v28;
	v11 =	vmul.f32 v51, v51;
	v56 =	vld.idx.msk [tilespmem:v50+s2+$0x0], $0xffff;
	vm7 =	vgt.f32 v52, v6  }
0x52: {  	v4 =	vsel vm3, v14, v4;
	v14 =	vld [tilespmem:$0x10160];
	v5 =	vadd.f32 v21, v5;
	v6 =	vsel vm7, v52, v6  }
0x53: {  	v36 =	vld.idx.msk [tilespmem:v57+s2+$0x0], $0xffff;
	v19 =	vmul.f32 v61, v61;
	v4 =	vsel vm0, v16, v4;
	vm8 =	vgt.f32 v9, v6  }
0x54: {  	v58 =	vld.idx.msk [tilespmem:v53+s2+$0x0], $0xffff;
	v62 =	vadd.s32 v3, v12;
	v5 =	vadd.f32 v24, v5;
	v6 =	vsel vm8, v9, v6  }
0x55: {  	v17 =	vld [tilespmem:$0x101A0];
	v4 =	vsel vm13, v18, v4;
	vm9 =	vgt.f32 v11, v6;
	v60 =	vmul.f32 v54, v54  }
0x56: {  	v15 =	vld [tilespmem:$0x10190];
	v41 =	vadd.s32 v3, v29;
	v5 =	vadd.f32 v42, v5;
	v6 =	vsel vm9, v11, v6  }
0x57: {  	v26 =	vld [tilespmem:$0x10210];
	v63 =	vmul.f32 v56, v56;
	v37 =	vadd.s32 v3, v14;
	vm13 =	vgt.f32 v60, v6  }
0x58: {  	v39 =	vld.idx.msk [tilespmem:v59+s2+$0x0], $0xffff;
	v21 =	vmul.f32 v36, v36;
	v5 =	vadd.f32 v46, v5;
	v6 =	vsel vm13, v60, v6  }
0x59: {  	v16 =	vld [tilespmem:$0x10200];
	v4 =	vsel vm14, v20, v4;
	v38 =	vmul.f32 v58, v58;
	vm14 =	vgt.f32 v63, v6  }
0x5a: {  	v44 =	vadd.s32 v3, v17;
	v10 =	vld.idx.msk [tilespmem:v62+s2+$0x0], $0xffff;
	v5 =	vadd.f32 v49, v5;
	v6 =	vsel vm14, v63, v6  }
0x5b: {  	v42 =	vadd.s32 v3, v15;
	v4 =	vsel vm15, v22, v4;
	v45 =	vld.idx.msk [tilespmem:v41+s2+$0x0], $0xffff;
	vm15 =	vgt.f32 v38, v6  }
0x5c: {  	v4 =	vsel vm12, v25, v4;
	v13 =	vld.idx.msk [tilespmem:v37+s2+$0x0], $0xffff;
	v5 =	vadd.f32 v52, v5;
	v6 =	vsel vm15, v38, v6  }
0x5d: {  	v24 =	vmul.f32 v39, v39;
	v4 =	vsel vm7, v27, v4;
	v27 =	vld [tilespmem:$0x101C0];
	vm1 =	vgt.f32 v19, v6  }
0x5e: {  	v57 =	vadd.s32 v3, v16;
	v5 =	vadd.f32 v9, v5;
	v9 =	vld [tilespmem:$0x101B0];
	v6 =	vsel vm1, v19, v6  }
0x5f: {  	v58 =	vadd.s32 v3, v26;
	v4 =	vsel vm8, v30, v4;
	v30 =	vld [tilespmem:$0x101D0];
	vm2 =	vgt.f32 v21, v6  }
0x60: {  	v43 =	vld.idx.msk [tilespmem:v40+s2+$0x0], $0xffff;
	v10 =	vmul.f32 v10, v10;
	v5 =	vadd.f32 v11, v5;
	v6 =	vsel vm2, v21, v6  }
0x61: {  	v51 =	vmul.f32 v45, v45;
	v4 =	vsel vm9, v32, v4;
	v32 =	vld [tilespmem:$0x101E0];
	vm5 =	vgt.f32 v24, v6  }
0x62: {  	v49 =	vld.idx.msk [tilespmem:v44+s2+$0x0], $0xffff;
	v48 =	vadd.s32 v3, v27;
	v5 =	vadd.f32 v60, v5;
	v6 =	vsel vm5, v24, v6  }
0x63: {  	v47 =	vld.idx.msk [tilespmem:v42+s2+$0x0], $0xffff;
	v13 =	vmul.f32 v13, v13;
	v46 =	vadd.s32 v3, v9;
	vm12 =	vgt.f32 v10, v6  }
0x64: {  	v36 =	vld.idx.msk [tilespmem:v58+s2+$0x0], $0xffff;
	v50 =	vadd.s32 v3, v30;
	v5 =	vadd.f32 v63, v5;
	v6 =	vsel vm12, v10, v6  }
0x65: {  	v11 =	vmul.f32 v43, v43;
	v4 =	vsel vm13, v23, v4;
	v23 =	vld [tilespmem:$0x101F0];
	vm13 =	vgt.f32 v13, v6  }
0x66: {  	v60 =	vld.idx.msk [tilespmem:v57+s2+$0x0], $0xffff;
	v53 =	vadd.s32 v3, v32;
	v5 =	vadd.f32 v38, v5;
	v6 =	vsel vm13, v13, v6  }
0x67: {  	v20 =	vmul.f32 v49, v49;
	v4 =	vsel vm14, v8, v4;
	v55 =	vld.idx.msk [tilespmem:v48+s2+$0x0], $0xffff;
	vm14 =	vgt.f32 v11, v6  }
0x68: {  	v54 =	vmul.f32 v47, v47;
	v5 =	vadd.f32 v19, v5;
	v52 =	vld.idx.msk [tilespmem:v46+s2+$0x0], $0xffff;
	v6 =	vsel vm14, v11, v6  }
0x69: {  	v8 =	vmul.f32 v36, v36;
	v4 =	vsel vm15, v7, v4;
	v22 =	vld.idx.msk [tilespmem:v50+s2+$0x0], $0xffff;
	vm15 =	vgt.f32 v51, v6  }
0x6a: {  	v4 =	vsel vm1, v34, v4;
	v34 =	vld [tilespmem:$0x10220];
	v5 =	vadd.f32 v21, v5;
	v6 =	vsel vm15, v51, v6  }
0x6b: {  	v56 =	vadd.s32 v3, v23;
	v4 =	vsel vm2, v33, v4;
	v25 =	vld.idx.msk [tilespmem:v53+s2+$0x0], $0xffff;
	vm10 =	vgt.f32 v54, v6  }
0x6c: {  	v33 =	vld [tilespmem:$0x10260];
	v18 =	vmul.f32 v55, v55;
	v5 =	vadd.f32 v24, v5;
	v6 =	vsel vm10, v54, v6  }
0x6d: {  	v49 =	vld [tilespmem:$0x102B0];
	v4 =	vsel vm5, v31, v4;
	v19 =	vmul.f32 v52, v52;
	vm11 =	vgt.f32 v20, v6  }
0x6e: {  	v59 =	vmul.f32 v22, v22;
	v5 =	vadd.f32 v10, v5;
	v10 =	vld [tilespmem:$0x10230];
	v6 =	vsel vm11, v20, v6  }
0x6f: {  	v61 =	vadd.s32 v3, v34;
	v4 =	vsel vm12, v12, v4;
	v12 =	vld [tilespmem:$0x10240];
	vm0 =	vgt.f32 v19, v6  }
0x70: {  	v21 =	vld.idx.msk [tilespmem:v56+s2+$0x0], $0xffff;
	v22 =	vmul.f32 v60, v60;
	v5 =	vadd.f32 v13, v5;
	v6 =	vsel vm0, v19, v6  }
0x71: {  	v31 =	vld [tilespmem:$0x10270];
	v62 =	vmul.f32 v25, v25;
	v41 =	vadd.s32 v3, v33;
	vm1 =	vgt.f32 v18, v6  }
0x72: {  	v4 =	vsel vm13, v14, v4;
	v5 =	vadd.f32 v11, v5;
	v11 =	vld [tilespmem:$0x10250];
	v6 =	vsel vm1, v18, v6  }
0x73: {  	v52 =	vld [tilespmem:$0x102C0];
	v4 =	vsel vm14, v28, v4;
	v63 =	vadd.s32 v3, v10;
	vm2 =	vgt.f32 v59, v6  }
0x74: {  	v38 =	vld.idx.msk [tilespmem:v61+s2+$0x0], $0xffff;
	v37 =	vadd.s32 v3, v12;
	v5 =	vadd.f32 v51, v5;
	v6 =	vsel vm2, v59, v6  }
0x75: {  	v21 =	vmul.f32 v21, v21;
	v4 =	vsel vm15, v29, v4;
	v29 =	vld [tilespmem:$0x10280];
	vm12 =	vgt.f32 v62, v6  }
0x76: {  	v43 =	vadd.s32 v3, v31;
	v47 =	vld.idx.msk [tilespmem:v41+s2+$0x0], $0xffff;
	v5 =	vadd.f32 v54, v5;
	v6 =	vsel vm12, v62, v6  }
0x77: {  	v4 =	vsel vm10, v15, v4;
	v15 =	vld [tilespmem:$0x10290];
	v39 =	vadd.s32 v3, v11;
	vm13 =	vgt.f32 v21, v6  }
0x78: {  	v53 =	vadd.s32 v3, v49;
	v5 =	vadd.f32 v20, v5;
	v40 =	vld.idx.msk [tilespmem:v63+s2+$0x0], $0xffff;
	v6 =	vsel vm13, v21, v6  }
0x79: {  	v55 =	vadd.s32 v3, v52;
	v42 =	vld.idx.msk [tilespmem:v37+s2+$0x0], $0xffff;
	v4 =	vsel vm11, v17, v4;
	vm14 =	vgt.f32 v22, v6  }
0x7a: {  	v17 =	vld [tilespmem:$0x102A0];
	v45 =	vadd.s32 v3, v29;
	v5 =	vadd.f32 v19, v5;
	v6 =	vsel vm14, v22, v6  }
0x7b: {  	v50 =	vld.idx.msk [tilespmem:v43+s2+$0x0], $0xffff;
	v7 =	vmul.f32 v38, v38;
	v20 =	vmul.f32 v47, v47;
	vm15 =	vgt.f32 v8, v6  }
0x7c: {  	v48 =	vadd.s32 v3, v15;
	v5 =	vadd.f32 v18, v5;
	v44 =	vld.idx.msk [tilespmem:v39+s2+$0x0], $0xffff;
	v6 =	vsel vm15, v8, v6  }
0x7d: {  	v58 =	vld.idx.msk [tilespmem:v53+s2+$0x0], $0xffff;
	v4 =	vsel vm0, v9, v4;
	v46 =	vmul.f32 v40, v40;
	vm9 =	vgt.f32 v7, v6  }
0x7e: {  	v60 =	vld.idx.msk [tilespmem:v55+s2+$0x0], $0xffff;
	v4 =	vsel vm1, v27, v4;
	v5 =	vadd.f32 v59, v5;
	v6 =	vsel vm9, v7, v6  }
0x7f: {  	v19 =	vmul.f32 v42, v42;
	v51 =	vadd.s32 v3, v17;
	v24 =	vld.idx.msk [tilespmem:v45+s2+$0x0], $0xffff;
	vm10 =	vgt.f32 v46, v6  }
0x80: {  	v4 =	vsel vm2, v30, v4;
	v30 =	vld [tilespmem:$0x10310];
	v5 =	vadd.f32 v62, v5;
	v6 =	vsel vm10, v46, v6  }
0x81: {  	v54 =	vmul.f32 v50, v50;
	v13 =	vld.idx.msk [tilespmem:v48+s2+$0x0], $0xffff;
	v18 =	vmul.f32 v44, v44;
	vm11 =	vgt.f32 v19, v6  }
0x82: {  	v4 =	vsel vm12, v32, v4;
	v5 =	vadd.f32 v21, v5;
	v21 =	vld [tilespmem:$0x102D0];
	v6 =	vsel vm11, v19, v6  }
0x83: {  	v9 =	vmul.f32 v60, v60;
	v32 =	vld [tilespmem:$0x10300];
	v4 =	vsel vm13, v23, v4;
	vm12 =	vgt.f32 v18, v6  }
0x84: {  	v56 =	vmul.f32 v24, v24;
	v5 =	vadd.f32 v22, v5;
	v22 =	vld [tilespmem:$0x102E0];
	v6 =	vsel vm12, v18, v6  }
0x85: {  	v14 =	vld.idx.msk [tilespmem:v51+s2+$0x0], $0xffff;
	v36 =	vadd.s32 v3, v30;
	v4 =	vsel vm14, v16, v4;
	vm13 =	vgt.f32 v20, v6  }
0x86: {  	v13 =	vmul.f32 v13, v13;
	v5 =	vadd.f32 v8, v5;
	v8 =	vld [tilespmem:$0x102F0];
	v6 =	vsel vm13, v20, v6  }
0x87: {  	v28 =	vld [tilespmem:$0x103C0];
	v4 =	vsel vm15, v26, v4;
	v57 =	vadd.s32 v3, v21;
	vm14 =	vgt.f32 v54, v6  }
0x88: {  	v5 =	vadd.f32 v7, v5;
	v4 =	vsel vm9, v34, v4;
	v34 =	vld [tilespmem:$0x10320];
	v6 =	vsel vm14, v54, v6  }
0x89: {  	v42 =	vld [tilespmem:$0x10350];
	v63 =	vadd.s32 v3, v32;
	v59 =	vadd.s32 v3, v22;
	vm15 =	vgt.f32 v56, v6  }
0x8a: {  	v5 =	vadd.f32 v46, v5;
	v4 =	vsel vm10, v10, v4;
	v10 =	vld [tilespmem:$0x10330];
	v6 =	vsel vm15, v56, v6  }
0x8b: {  	v14 =	vmul.f32 v14, v14;
	v26 =	vld.idx.msk [tilespmem:v36+s2+$0x0], $0xffff;
	v61 =	vadd.s32 v3, v8;
	vm6 =	vgt.f32 v13, v6  }
0x8c: {  	v7 =	vmul.f32 v58, v58;
	v5 =	vadd.f32 v19, v5;
	v62 =	vld.idx.msk [tilespmem:v57+s2+$0x0], $0xffff;
	v6 =	vsel vm6, v13, v6  }
0x8d: {  	v4 =	vsel vm11, v12, v4;
	v12 =	vld [tilespmem:$0x10340];
	v38 =	vadd.s32 v3, v34;
	vm7 =	vgt.f32 v14, v6  }
0x8e: {  	v44 =	vadd.s32 v3, v42;
	v5 =	vadd.f32 v18, v5;
	v35 =	vld.idx.msk [tilespmem:v59+s2+$0x0], $0xffff;
	v6 =	vsel vm7, v14, v6  }
0x8f: {  	v58 =	vadd.s32 v3, v28;
	v40 =	vld.idx.msk [tilespmem:v63+s2+$0x0], $0xffff;
	v41 =	vadd.s32 v3, v10;
	vm8 =	vgt.f32 v7, v6  }
0x90: {  	v4 =	vsel vm12, v11, v4;
	v5 =	vadd.f32 v20, v5;
	v37 =	vld.idx.msk [tilespmem:v61+s2+$0x0], $0xffff;
	v6 =	vsel vm8, v7, v6  }
0x91: {  	v4 =	vsel vm13, v33, v4;
	v33 =	vld [tilespmem:$0x10360];
	v39 =	vmul.f32 v62, v62;
	vm12 =	vgt.f32 v9, v6  }
0x92: {  	v43 =	vadd.s32 v3, v12;
	v5 =	vadd.f32 v54, v5;
	v27 =	vld.idx.msk [tilespmem:v38+s2+$0x0], $0xffff;
	v6 =	vsel vm12, v9, v6  }
0x93: {  	v4 =	vsel vm14, v31, v4;
	v31 =	vld [tilespmem:$0x103A0];
	v18 =	vmul.f32 v35, v35;
	vm13 =	vgt.f32 v39, v6  }
0x94: {  	v45 =	vmul.f32 v26, v26;
	v5 =	vadd.f32 v56, v5;
	v23 =	vld.idx.msk [tilespmem:v41+s2+$0x0], $0xffff;
	v6 =	vsel vm13, v39, v6  }
0x95: {  	v4 =	vsel vm15, v29, v4;
	v29 =	vld [tilespmem:$0x103B0];
	v20 =	vmul.f32 v37, v37;
	vm14 =	vgt.f32 v18, v6  }
0x96: {  	v19 =	vmul.f32 v40, v40;
	v5 =	vadd.f32 v13, v5;
	v13 =	vld [tilespmem:$0x10370];
	v6 =	vsel vm14, v18, v6  }
0x97: {  	v46 =	vadd.s32 v3, v33;
	v4 =	vsel vm6, v15, v4;
	v16 =	vld.idx.msk [tilespmem:v43+s2+$0x0], $0xffff;
	vm15 =	vgt.f32 v20, v6  }
0x98: {  	v47 =	vmul.f32 v27, v27;
	v5 =	vadd.f32 v14, v5;
	v14 =	vld [tilespmem:$0x10380];
	v6 =	vsel vm15, v20, v6  }
0x99: {  	v36 =	vld [tilespmem:$0x10400];
	v54 =	vadd.s32 v3, v31;
	v4 =	vsel vm7, v17, v4;
	vm1 =	vgt.f32 v19, v6  }
0x9a: {  	v23 =	vmul.f32 v23, v23;
	v5 =	vadd.f32 v7, v5;
	v7 =	vld [tilespmem:$0x10390];
	v6 =	vsel vm1, v19, v6  }
0x9b: {  	v26 =	vld.idx.msk [tilespmem:v58+s2+$0x0], $0xffff;
	v56 =	vadd.s32 v3, v29;
	v48 =	vadd.s32 v3, v13;
	vm2 =	vgt.f32 v45, v6  }
0x9c: {  	v4 =	vsel vm8, v49, v4;
	v49 =	vld.idx.msk [tilespmem:v44+s2+$0x0], $0xffff;
	v5 =	vadd.f32 v9, v5;
	v6 =	vsel vm2, v45, v6  }
0x9d: {  	v62 =	vld [tilespmem:$0x103F0];
	v16 =	vmul.f32 v16, v16;
	v50 =	vadd.s32 v3, v14;
	vm5 =	vgt.f32 v47, v6  }
0x9e: {  	v51 =	vld.idx.msk [tilespmem:v46+s2+$0x0], $0xffff;
	v4 =	vsel vm12, v52, v4;
	v5 =	vadd.f32 v39, v5;
	v6 =	vsel vm5, v47, v6  }
0x9f: {  	v4 =	vsel vm13, v21, v4;
	v21 =	vld [tilespmem:$0x103D0];
	v52 =	vadd.s32 v3, v7;
	vm12 =	vgt.f32 v23, v6  }
0xa0: {  	v39 =	vadd.s32 v3, v36;
	v5 =	vadd.f32 v18, v5;
	v53 =	vld.idx.msk [tilespmem:v48+s2+$0x0], $0xffff;
	v6 =	vsel vm12, v23, v6  }
0xa1: {  	v9 =	vmul.f32 v49, v49;
	v4 =	vsel vm14, v22, v4;
	v22 =	vld [tilespmem:$0x103E0];
	vm13 =	vgt.f32 v16, v6  }
0xa2: {  	v5 =	vadd.f32 v20, v5;
	v55 =	vld.idx.msk [tilespmem:v50+s2+$0x0], $0xffff;
	v6 =	vsel vm13, v16, v6  }
0xa3: {  	v60 =	vld.idx.msk [tilespmem:v54+s2+$0x0], $0xffff;
	v11 =	vmul.f32 v51, v51;
	vm14 =	vgt.f32 v9, v6  }
0xa4: {  	v61 =	vadd.s32 v3, v21;
	v5 =	vadd.f32 v19, v5;
	v57 =	vld.idx.msk [tilespmem:v52+s2+$0x0], $0xffff;
	v6 =	vsel vm14, v9, v6  }
0xa5: {  	v25 =	vld.idx.msk [tilespmem:v56+s2+$0x0], $0xffff;
	v4 =	vsel vm15, v8, v4;
	v59 =	vmul.f32 v53, v53;
	vm15 =	vgt.f32 v11, v6  }
0xa6: {  	v44 =	vld.idx.msk [tilespmem:v39+s2+$0x0], $0xffff;
	v4 =	vsel vm1, v32, v4;
	v5 =	vadd.f32 v45, v5;
	v6 =	vsel vm15, v11, v6  }
0xa7: {  	v32 =	vld [tilespmem:$0x10500];
	v63 =	vadd.s32 v3, v22;
	v20 =	vmul.f32 v55, v55;
	vm10 =	vgt.f32 v59, v6  }
0xa8: {  	v4 =	vsel vm2, v30, v4;
	v30 =	vld [tilespmem:$0x10450];
	v5 =	vadd.f32 v47, v5;
	v6 =	vsel vm10, v59, v6  }
0xa9: {  	v40 =	vmul.f32 v26, v26;
	v15 =	vld.idx.msk [tilespmem:v61+s2+$0x0], $0xffff;
	v19 =	vmul.f32 v57, v57;
	vm11 =	vgt.f32 v20, v6  }
0xaa: {  	v37 =	vadd.s32 v3, v62;
	v5 =	vadd.f32 v23, v5;
	v23 =	vld [tilespmem:$0x10410];
	v6 =	vsel vm11, v20, v6  }
0xab: {  	v18 =	vmul.f32 v60, v60;
	v55 =	vld [tilespmem:$0x10490];
	v4 =	vsel vm5, v34, v4;
	vm0 =	vgt.f32 v19, v6  }
0xac: {  	v4 =	vsel vm12, v10, v4;
	v10 =	vld [tilespmem:$0x10420];
	v5 =	vadd.f32 v16, v5;
	v6 =	vsel vm0, v19, v6  }
0xad: {  	v38 =	vmul.f32 v25, v25;
	v17 =	vld.idx.msk [tilespmem:v63+s2+$0x0], $0xffff;
	v49 =	vadd.s32 v3, v30;
	vm1 =	vgt.f32 v18, v6  }
0xae: {  	v4 =	vsel vm13, v12, v4;
	v5 =	vadd.f32 v9, v5;
	v9 =	vld [tilespmem:$0x10430];
	v6 =	vsel vm1, v18, v6  }
0xaf: {  	v34 =	vld [tilespmem:$0x10440];
	v15 =	vmul.f32 v15, v15;
	v41 =	vadd.s32 v3, v23;
	vm2 =	vgt.f32 v38, v6  }
0xb0: {  	v4 =	vsel vm14, v42, v4;
	v42 =	vld.idx.msk [tilespmem:v37+s2+$0x0], $0xffff;
	v5 =	vadd.f32 v11, v5;
	v6 =	vsel vm2, v38, v6  }
0xb1: {  	v43 =	vadd.s32 v3, v10;
	v4 =	vsel vm15, v33, v4;
	v33 =	vld [tilespmem:$0x10460];
	vm12 =	vgt.f32 v40, v6  }
0xb2: {  	v8 =	vmul.f32 v44, v44;
	v24 =	vld.idx.msk [tilespmem:v49+s2+$0x0], $0xffff;
	v5 =	vadd.f32 v59, v5;
	v6 =	vsel vm12, v40, v6  }
0xb3: {  	v17 =	vmul.f32 v17, v17;
	v49 =	vld [tilespmem:$0x10540];
	v45 =	vadd.s32 v3, v9;
	vm13 =	vgt.f32 v15, v6  }
0xb4: {  	v47 =	vadd.s32 v3, v34;
	v5 =	vadd.f32 v20, v5;
	v46 =	vld.idx.msk [tilespmem:v41+s2+$0x0], $0xffff;
	v6 =	vsel vm13, v15, v6  }
0xb5: {  	v4 =	vsel vm10, v13, v4;
	v13 =	vld [tilespmem:$0x10470];
	v11 =	vmul.f32 v42, v42;
	vm14 =	vgt.f32 v17, v6  }
0xb6: {  	v57 =	vadd.s32 v3, v55;
	v48 =	vld.idx.msk [tilespmem:v43+s2+$0x0], $0xffff;
	v5 =	vadd.f32 v19, v5;
	v6 =	vsel vm14, v17, v6  }
0xb7: {  	v4 =	vsel vm11, v14, v4;
	v14 =	vld [tilespmem:$0x10480];
	v51 =	vadd.s32 v3, v33;
	vm15 =	vgt.f32 v11, v6  }
0xb8: {  	v43 =	vadd.s32 v3, v32;
	v5 =	vadd.f32 v18, v5;
	v50 =	vld.idx.msk [tilespmem:v45+s2+$0x0], $0xffff;
	v6 =	vsel vm15, v11, v6  }
0xb9: {  	v53 =	vld.idx.msk [tilespmem:v47+s2+$0x0], $0xffff;
	v4 =	vsel vm0, v7, v4;
	v52 =	vmul.f32 v46, v46;
	vm9 =	vgt.f32 v8, v6  }
0xba: {  	v47 =	vld [tilespmem:$0x10530];
	v54 =	vadd.s32 v3, v13;
	v5 =	vadd.f32 v38, v5;
	v6 =	vsel vm9, v8, v6  }
0xbb: {  	v4 =	vsel vm1, v31, v4;
	v31 =	vld [tilespmem:$0x104A0];
	v19 =	vmul.f32 v48, v48;
	vm10 =	vgt.f32 v52, v6  }
0xbc: {  	v56 =	vadd.s32 v3, v14;
	v25 =	vld.idx.msk [tilespmem:v51+s2+$0x0], $0xffff;
	v5 =	vadd.f32 v40, v5;
	v6 =	vsel vm10, v52, v6  }
0xbd: {  	v4 =	vsel vm2, v29, v4;
	v29 =	vld [tilespmem:$0x104E0];
	v18 =	vmul.f32 v50, v50;
	vm11 =	vgt.f32 v19, v6  }
0xbe: {  	v58 =	vmul.f32 v24, v24;
	v5 =	vadd.f32 v15, v5;
	v15 =	vld [tilespmem:$0x104B0];
	v6 =	vsel vm11, v19, v6  }
0xbf: {  	v20 =	vmul.f32 v53, v53;
	v4 =	vsel vm12, v28, v4;
	v16 =	vld.idx.msk [tilespmem:v54+s2+$0x0], $0xffff;
	vm12 =	vgt.f32 v18, v6  }
0xc0: {  	v59 =	vadd.s32 v3, v31;
	v5 =	vadd.f32 v17, v5;
	v17 =	vld [tilespmem:$0x104C0];
	v6 =	vsel vm12, v18, v6  }
0xc1: {  	v4 =	vsel vm13, v21, v4;
	v12 =	vld.idx.msk [tilespmem:v56+s2+$0x0], $0xffff;
	v60 =	vmul.f32 v25, v25;
	vm13 =	vgt.f32 v20, v6  }
0xc2: {  	v39 =	vadd.s32 v3, v29;
	v5 =	vadd.f32 v11, v5;
	v11 =	vld [tilespmem:$0x104D0];
	v6 =	vsel vm13, v20, v6  }
0xc3: {  	v28 =	vld [tilespmem:$0x104F0];
	v4 =	vsel vm14, v22, v4;
	v61 =	vadd.s32 v3, v15;
	vm14 =	vgt.f32 v58, v6  }
0xc4: {  	v4 =	vsel vm15, v62, v4;
	v62 =	vld.idx.msk [tilespmem:v57+s2+$0x0], $0xffff;
	v5 =	vadd.f32 v8, v5;
	v6 =	vsel vm14, v58, v6  }
0xc5: {  	v24 =	vld.idx.msk [tilespmem:v43+s2+$0x0], $0xffff;
	v16 =	vmul.f32 v16, v16;
	v63 =	vadd.s32 v3, v17;
	vm15 =	vgt.f32 v60, v6  }
0xc6: {  	v4 =	vsel vm9, v36, v4;
	v36 =	vld.idx.msk [tilespmem:v59+s2+$0x0], $0xffff;
	v5 =	vadd.f32 v52, v5;
	v6 =	vsel vm15, v60, v6  }
0xc7: {  	v12 =	vmul.f32 v12, v12;
	v45 =	vld.idx.msk [tilespmem:v39+s2+$0x0], $0xffff;
	v37 =	vadd.s32 v3, v11;
	vm6 =	vgt.f32 v16, v6  }
0xc8: {  	v41 =	vadd.s32 v3, v28;
	v5 =	vadd.f32 v19, v5;
	v38 =	vld.idx.msk [tilespmem:v61+s2+$0x0], $0xffff;
	v6 =	vsel vm6, v16, v6  }
0xc9: {  	v4 =	vsel vm10, v23, v4;
	v23 =	vld [tilespmem:$0x10510];
	v8 =	vmul.f32 v62, v62;
	vm7 =	vgt.f32 v12, v6  }
0xca: {  	v52 =	vadd.s32 v3, v49;
	v5 =	vadd.f32 v18, v5;
	v40 =	vld.idx.msk [tilespmem:v63+s2+$0x0], $0xffff;
	v6 =	vsel vm7, v12, v6  }
0xcb: {  	v4 =	vsel vm11, v10, v4;
	v10 =	vld [tilespmem:$0x10520];
	v7 =	vmul.f32 v36, v36;
	vm8 =	vgt.f32 v8, v6  }
0xcc: {  	v50 =	vadd.s32 v3, v47;
	v5 =	vadd.f32 v20, v5;
	v42 =	vld.idx.msk [tilespmem:v37+s2+$0x0], $0xffff;
	v6 =	vsel vm8, v8, v6  }
0xcd: {  	v39 =	vld [tilespmem:$0x105D0];
	v4 =	vsel vm12, v9, v4;
	v44 =	vmul.f32 v38, v38;
	vm12 =	vgt.f32 v7, v6  }
0xce: {  	v27 =	vld.idx.msk [tilespmem:v41+s2+$0x0], $0xffff;
	v46 =	vadd.s32 v3, v23;
	v5 =	vadd.f32 v58, v5;
	v6 =	vsel vm12, v7, v6  }
0xcf: {  	v41 =	vld [tilespmem:$0x105E0];
	v4 =	vsel vm13, v34, v4;
	v18 =	vmul.f32 v40, v40;
	vm13 =	vgt.f32 v44, v6  }
0xd0: {  	v57 =	vld.idx.msk [tilespmem:v52+s2+$0x0], $0xffff;
	v48 =	vadd.s32 v3, v10;
	v5 =	vadd.f32 v60, v5;
	v6 =	vsel vm13, v44, v6  }
0xd1: {  	v4 =	vsel vm14, v30, v4;
	v30 =	vld [tilespmem:$0x10590];
	v20 =	vmul.f32 v42, v42;
	vm14 =	vgt.f32 v18, v6  }
0xd2: {  	v53 =	vmul.f32 v24, v24;
	v5 =	vadd.f32 v16, v5;
	v16 =	vld [tilespmem:$0x10550];
	v6 =	vsel vm14, v18, v6  }
0xd3: {  	v19 =	vmul.f32 v45, v45;
	v4 =	vsel vm15, v33, v4;
	v21 =	vld.idx.msk [tilespmem:v46+s2+$0x0], $0xffff;
	vm15 =	vgt.f32 v20, v6  }
0xd4: {  	v51 =	vmul.f32 v27, v27;
	v5 =	vadd.f32 v12, v5;
	v12 =	vld [tilespmem:$0x10560];
	v6 =	vsel vm15, v20, v6  }
0xd5: {  	v9 =	vmul.f32 v57, v57;
	v4 =	vsel vm6, v13, v4;
	v22 =	vld.idx.msk [tilespmem:v48+s2+$0x0], $0xffff;
	vm1 =	vgt.f32 v19, v6  }
0xd6: {  	v62 =	vadd.s32 v3, v30;
	v5 =	vadd.f32 v8, v5;
	v8 =	vld [tilespmem:$0x10570];
	v6 =	vsel vm1, v19, v6  }
0xd7: {  	v33 =	vld [tilespmem:$0x10580];
	v4 =	vsel vm7, v14, v4;
	v54 =	vadd.s32 v3, v16;
	vm2 =	vgt.f32 v51, v6  }
0xd8: {  	v4 =	vsel vm8, v55, v4;
	v55 =	vld.idx.msk [tilespmem:v50+s2+$0x0], $0xffff;
	v5 =	vadd.f32 v7, v5;
	v6 =	vsel vm2, v51, v6  }
0xd9: {  	v34 =	vld [tilespmem:$0x10640];
	v21 =	vmul.f32 v21, v21;
	v56 =	vadd.s32 v3, v12;
	vm5 =	vgt.f32 v53, v6  }
0xda: {  	v4 =	vsel vm12, v31, v4;
	v31 =	vld [tilespmem:$0x105A0];
	v5 =	vadd.f32 v44, v5;
	v6 =	vsel vm5, v53, v6  }
0xdb: {  	v22 =	vmul.f32 v22, v22;
	v26 =	vld.idx.msk [tilespmem:v62+s2+$0x0], $0xffff;
	v58 =	vadd.s32 v3, v8;
	vm12 =	vgt.f32 v21, v6  }
0xdc: {  	v60 =	vadd.s32 v3, v33;
	v5 =	vadd.f32 v18, v5;
	v59 =	vld.idx.msk [tilespmem:v54+s2+$0x0], $0xffff;
	v6 =	vsel vm12, v21, v6  }
0xdd: {  	v4 =	vsel vm13, v15, v4;
	v15 =	vld [tilespmem:$0x105B0];
	v7 =	vmul.f32 v55, v55;
	vm13 =	vgt.f32 v22, v6  }
0xde: {  	v42 =	vadd.s32 v3, v39;
	v5 =	vadd.f32 v20, v5;
	v61 =	vld.idx.msk [tilespmem:v56+s2+$0x0], $0xffff;
	v6 =	vsel vm13, v22, v6  }
0xdf: {  	v44 =	vadd.s32 v3, v41;
	v4 =	vsel vm14, v17, v4;
	v17 =	vld [tilespmem:$0x105C0];
	vm14 =	vgt.f32 v7, v6  }
0xe0: {  	v35 =	vadd.s32 v3, v31;
	v5 =	vadd.f32 v19, v5;
	v63 =	vld.idx.msk [tilespmem:v58+s2+$0x0], $0xffff;
	v6 =	vsel vm14, v7, v6  }
0xe1: {  	v4 =	vsel vm15, v11, v4;
	v36 =	vmul.f32 v59, v59;
	vm15 =	vgt.f32 v9, v6  }
0xe2: {  	v37 =	vld.idx.msk [tilespmem:v60+s2+$0x0], $0xffff;
	v38 =	vadd.s32 v3, v15;
	v5 =	vadd.f32 v51, v5;
	v6 =	vsel vm15, v9, v6  }
0xe3: {  	v43 =	vmul.f32 v26, v26;
	v20 =	vmul.f32 v61, v61;
	vm10 =	vgt.f32 v36, v6  }
0xe4: {  	v60 =	vld [tilespmem:$0x10670];
	v40 =	vadd.s32 v3, v17;
	v5 =	vadd.f32 v53, v5;
	v6 =	vsel vm10, v36, v6  }
0xe5: {  	v56 =	vadd.s32 v3, v34;
	v27 =	vld.idx.msk [tilespmem:v35+s2+$0x0], $0xffff;
	v19 =	vmul.f32 v63, v63;
	vm11 =	vgt.f32 v20, v6  }
0xe6: {  	v4 =	vsel vm1, v29, v4;
	v5 =	vadd.f32 v21, v5;
	v21 =	vld [tilespmem:$0x105F0];
	v6 =	vsel vm11, v20, v6  }
0xe7: {  	v18 =	vmul.f32 v37, v37;
	v4 =	vsel vm2, v28, v4;
	v13 =	vld.idx.msk [tilespmem:v38+s2+$0x0], $0xffff;
	vm0 =	vgt.f32 v19, v6  }
0xe8: {  	v4 =	vsel vm5, v32, v4;
	v5 =	vadd.f32 v22, v5;
	v22 =	vld [tilespmem:$0x10600];
	v6 =	vsel vm0, v19, v6  }
0xe9: {  	v63 =	vadd.s32 v3, v60;
	v4 =	vsel vm12, v23, v4;
	v14 =	vld.idx.msk [tilespmem:v40+s2+$0x0], $0xffff;
	vm12 =	vgt.f32 v18, v6  }
0xea: {  	v45 =	vmul.f32 v27, v27;
	v5 =	vadd.f32 v7, v5;
	v7 =	vld [tilespmem:$0x10610];
	v6 =	vsel vm12, v18, v6  }
0xeb: {  	v32 =	vld [tilespmem:$0x10620];
	v4 =	vsel vm13, v10, v4;
	v46 =	vadd.s32 v3, v21;
	vm13 =	vgt.f32 v43, v6  }
0xec: {  	v4 =	vsel vm14, v47, v4;
	v47 =	vld.idx.msk [tilespmem:v42+s2+$0x0], $0xffff;
	v5 =	vadd.f32 v9, v5;
	v6 =	vsel vm13, v43, v6  }
0xed: {  	v28 =	vld [tilespmem:$0x10630];
	v13 =	vmul.f32 v13, v13;
	v48 =	vadd.s32 v3, v22;
	vm14 =	vgt.f32 v45, v6  }
0xee: {  	v4 =	vsel vm15, v49, v4;
	v49 =	vld.idx.msk [tilespmem:v44+s2+$0x0], $0xffff;
	v5 =	vadd.f32 v36, v5;
	v6 =	vsel vm14, v45, v6  }
0xef: {  	v26 =	vld.idx.msk [tilespmem:v56+s2+$0x0], $0xffff;
	v14 =	vmul.f32 v14, v14;
	v50 =	vadd.s32 v3, v7;
	vm15 =	vgt.f32 v13, v6  }
0xf0: {  	v52 =	vadd.s32 v3, v32;
	v5 =	vadd.f32 v20, v5;
	v51 =	vld.idx.msk [tilespmem:v46+s2+$0x0], $0xffff;
	v6 =	vsel vm15, v13, v6  }
0xf1: {  	v4 =	vsel vm10, v16, v4;
	v16 =	vld [tilespmem:$0x10650];
	v9 =	vmul.f32 v47, v47;
	vm7 =	vgt.f32 v14, v6  }
0xf2: {  	v54 =	vadd.s32 v3, v28;
	v5 =	vadd.f32 v19, v5;
	v53 =	vld.idx.msk [tilespmem:v48+s2+$0x0], $0xffff;
	v6 =	vsel vm7, v14, v6  }
0xf3: {  	v4 =	vsel vm11, v12, v4;
	v12 =	vld [tilespmem:$0x10660];
	v11 =	vmul.f32 v49, v49;
	vm8 =	vgt.f32 v9, v6  }
0xf4: {  	v37 =	vmul.f32 v26, v26;
	v5 =	vadd.f32 v18, v5;
	v55 =	vld.idx.msk [tilespmem:v50+s2+$0x0], $0xffff;
	v6 =	vsel vm8, v9, v6  }
0xf5: {  	v62 =	vld [tilespmem:$0x10680];
	v4 =	vsel vm0, v8, v4;
	v57 =	vmul.f32 v51, v51;
	vm9 =	vgt.f32 v11, v6  }
0xf6: {  	v58 =	vld.idx.msk [tilespmem:v52+s2+$0x0], $0xffff;
	v59 =	vadd.s32 v3, v16;
	v5 =	vadd.f32 v43, v5;
	v6 =	vsel vm9, v11, v6  }
0xf7: {  	v25 =	vld.idx.msk [tilespmem:v54+s2+$0x0], $0xffff;
	v4 =	vsel vm12, v33, v4;
	v19 =	vmul.f32 v53, v53;
	vm12 =	vgt.f32 v57, v6  }
0xf8: {  	v29 =	vld [tilespmem:$0x106E0];
	v61 =	vadd.s32 v3, v12;
	v5 =	vadd.f32 v45, v5;
	v6 =	vsel vm12, v57, v6  }
0xf9: {  	v4 =	vsel vm13, v30, v4;
	v30 =	vld [tilespmem:$0x106D0];
	v18 =	vmul.f32 v55, v55;
	vm13 =	vgt.f32 v19, v6  }
0xfa: {  	v36 =	vadd.s32 v3, v62;
	v5 =	vadd.f32 v13, v5;
	v13 =	vld [tilespmem:$0x10690];
	v6 =	vsel vm13, v19, v6  }
0xfb: {  	v20 =	vmul.f32 v58, v58;
	v4 =	vsel vm14, v31, v4;
	v23 =	vld.idx.msk [tilespmem:v59+s2+$0x0], $0xffff;
	vm14 =	vgt.f32 v18, v6  }
0xfc: {  	v35 =	vmul.f32 v25, v25;
	v5 =	vadd.f32 v14, v5;
	v14 =	vld [tilespmem:$0x106A0];
	v6 =	vsel vm14, v18, v6  }
0xfd: {  	v48 =	vadd.s32 v3, v29;
	v4 =	vsel vm15, v15, v4;
	v10 =	vld.idx.msk [tilespmem:v61+s2+$0x0], $0xffff;
	vm15 =	vgt.f32 v20, v6  }
0xfe: {  	v46 =	vadd.s32 v3, v30;
	v5 =	vadd.f32 v9, v5;
	v9 =	vld [tilespmem:$0x106B0];
	v6 =	vsel vm15, v20, v6  }
0xff: {  	v31 =	vld [tilespmem:$0x106C0];
	v4 =	vsel vm7, v17, v4;
	v38 =	vadd.s32 v3, v13;
	vm2 =	vgt.f32 v35, v6  }
0x100: {  	v4 =	vsel vm8, v39, v4;
	v39 =	vld.idx.msk [tilespmem:v63+s2+$0x0], $0xffff;
	v5 =	vadd.f32 v11, v5;
	v6 =	vsel vm2, v35, v6  }
0x101: {  	v26 =	vld [tilespmem:$0x10710];
	v23 =	vmul.f32 v23, v23;
	v40 =	vadd.s32 v3, v14;
	vm5 =	vgt.f32 v37, v6  }
0x102: {  	v4 =	vsel vm9, v41, v4;
	v41 =	vld.idx.msk [tilespmem:v36+s2+$0x0], $0xffff;
	v5 =	vadd.f32 v57, v5;
	v6 =	vsel vm5, v37, v6  }
0x103: {  	v25 =	vld.idx.msk [tilespmem:v48+s2+$0x0], $0xffff;
	v10 =	vmul.f32 v10, v10;
	v42 =	vadd.s32 v3, v9;
	vm6 =	vgt.f32 v23, v6  }
0x104: {  	v44 =	vadd.s32 v3, v31;
	v5 =	vadd.f32 v19, v5;
	v43 =	vld.idx.msk [tilespmem:v38+s2+$0x0], $0xffff;
	v6 =	vsel vm6, v23, v6  }
0x105: {  	v4 =	vsel vm12, v21, v4;
	v21 =	vld [tilespmem:$0x106F0];
	v11 =	vmul.f32 v39, v39;
	vm12 =	vgt.f32 v10, v6  }
0x106: {  	v5 =	vadd.f32 v18, v5;
	v45 =	vld.idx.msk [tilespmem:v40+s2+$0x0], $0xffff;
	v6 =	vsel vm12, v10, v6  }
0x107: {  	v4 =	vsel vm13, v22, v4;
	v22 =	vld [tilespmem:$0x10700];
	v8 =	vmul.f32 v41, v41;
	vm13 =	vgt.f32 v11, v6  }
0x108: {  	v5 =	vadd.f32 v20, v5;
	v47 =	vld.idx.msk [tilespmem:v42+s2+$0x0], $0xffff;
	v6 =	vsel vm13, v11, v6  }
0x109: {  	v24 =	vld.idx.msk [tilespmem:v46+s2+$0x0], $0xffff;
	v4 =	vsel vm14, v7, v4;
	v49 =	vmul.f32 v43, v43;
	vm14 =	vgt.f32 v8, v6  }
0x10a: {  	v50 =	vld.idx.msk [tilespmem:v44+s2+$0x0], $0xffff;
	v51 =	vadd.s32 v3, v21;
	v5 =	vadd.f32 v35, v5;
	v6 =	vsel vm14, v8, v6  }
0x10b: {  	v4 =	vsel vm15, v32, v4;
	v18 =	vmul.f32 v45, v45;
	vm15 =	vgt.f32 v49, v6  }
0x10c: {  	v32 =	vld [tilespmem:$0x10720];
	v52 =	vadd.s32 v3, v22;
	v5 =	vadd.f32 v37, v5;
	v6 =	vsel vm15, v49, v6  }
0x10d: {  	v33 =	vld [tilespmem:$0x10780];
	v53 =	vadd.s32 v3, v26;
	v20 =	vmul.f32 v47, v47;
	vm4 =	vgt.f32 v18, v6  }
0x10e: {  	v56 =	vmul.f32 v25, v25;
	v5 =	vadd.f32 v23, v5;
	v23 =	vld [tilespmem:$0x10730];
	v6 =	vsel vm4, v18, v6  }
0x10f: {  	v54 =	vmul.f32 v24, v24;
	v19 =	vmul.f32 v50, v50;
	v15 =	vld.idx.msk [tilespmem:v51+s2+$0x0], $0xffff;
	vm10 =	vgt.f32 v20, v6  }
0x110: {  	v4 =	vsel vm2, v28, v4;
	v5 =	vadd.f32 v10, v5;
	v10 =	vld [tilespmem:$0x10740];
	v6 =	vsel vm10, v20, v6  }
0x111: {  	v4 =	vsel vm5, v34, v4;
	v55 =	vadd.s32 v3, v32;
	v17 =	vld.idx.msk [tilespmem:v52+s2+$0x0], $0xffff;
	vm11 =	vgt.f32 v19, v6  }
0x112: {  	v4 =	vsel vm6, v16, v4;
	v5 =	vadd.f32 v11, v5;
	v11 =	vld [tilespmem:$0x10750];
	v6 =	vsel vm11, v19, v6  }
0x113: {  	v34 =	vld [tilespmem:$0x10760];
	v4 =	vsel vm12, v12, v4;
	v57 =	vadd.s32 v3, v23;
	vm12 =	vgt.f32 v54, v6  }
0x114: {  	v58 =	vld.idx.msk [tilespmem:v53+s2+$0x0], $0xffff;
	v15 =	vmul.f32 v15, v15;
	v5 =	vadd.f32 v8, v5;
	v6 =	vsel vm12, v54, v6  }
0x115: {  	v28 =	vld [tilespmem:$0x10770];
	v4 =	vsel vm13, v60, v4;
	v59 =	vadd.s32 v3, v10;
	vm13 =	vgt.f32 v56, v6  }
0x116: {  	v60 =	vld.idx.msk [tilespmem:v55+s2+$0x0], $0xffff;
	v17 =	vmul.f32 v17, v17;
	v5 =	vadd.f32 v49, v5;
	v6 =	vsel vm13, v56, v6  }
0x117: {  	v46 =	vld [tilespmem:$0x107C0];
	v4 =	vsel vm14, v62, v4;
	v61 =	vadd.s32 v3, v11;
	vm14 =	vgt.f32 v15, v6  }
0x118: {  	v63 =	vadd.s32 v3, v34;
	v5 =	vadd.f32 v18, v5;
	v62 =	vld.idx.msk [tilespmem:v57+s2+$0x0], $0xffff;
	v6 =	vsel vm14, v15, v6  }
0x119: {  	v35 =	vld [tilespmem:$0x10790];
	v8 =	vmul.f32 v58, v58;
	v4 =	vsel vm15, v13, v4;
	vm15 =	vgt.f32 v17, v6  }
0x11a: {  	v40 =	vadd.s32 v3, v33;
	v5 =	vadd.f32 v20, v5;
	v36 =	vld.idx.msk [tilespmem:v59+s2+$0x0], $0xffff;
	v6 =	vsel vm15, v17, v6  }
0x11b: {  	v38 =	vld [tilespmem:$0x107A0];
	v37 =	vadd.s32 v3, v28;
	v7 =	vmul.f32 v60, v60;
	vm9 =	vgt.f32 v8, v6  }
0x11c: {  	v4 =	vsel vm4, v14, v4;
	v5 =	vadd.f32 v19, v5;
	v39 =	vld.idx.msk [tilespmem:v61+s2+$0x0], $0xffff;
	v6 =	vsel vm9, v8, v6  }
0x11d: {  	v44 =	vld [tilespmem:$0x107B0];
	v4 =	vsel vm10, v9, v4;
	v41 =	vmul.f32 v62, v62;
	vm10 =	vgt.f32 v7, v6  }
0x11e: {  	v43 =	vadd.s32 v3, v35;
	v42 =	vld.idx.msk [tilespmem:v63+s2+$0x0], $0xffff;
	v5 =	vadd.f32 v54, v5;
	v6 =	vsel vm10, v7, v6  }
0x11f: {  	v24 =	vld.idx.msk [tilespmem:v40+s2+$0x0], $0xffff;
	v4 =	vsel vm11, v31, v4;
	v20 =	vmul.f32 v36, v36;
	vm11 =	vgt.f32 v41, v6  }
0x120: {  	v45 =	vadd.s32 v3, v38;
	v27 =	vld.idx.msk [tilespmem:v37+s2+$0x0], $0xffff;
	v5 =	vadd.f32 v56, v5;
	v6 =	vsel vm11, v41, v6  }
0x121: {  	v47 =	vld [tilespmem:$0x107D0];
	v4 =	vsel vm12, v30, v4;
	v19 =	vmul.f32 v39, v39;
	vm12 =	vgt.f32 v20, v6  }
0x122: {  	v48 =	vadd.s32 v3, v44;
	v52 =	vld [tilespmem:$0x107F0];
	v5 =	vadd.f32 v15, v5;
	v6 =	vsel vm12, v20, v6  }
0x123: {  	v16 =	vld.idx.msk [tilespmem:v43+s2+$0x0], $0xffff;
	v18 =	vmul.f32 v42, v42;
	v4 =	vsel vm13, v29, v4;
	vm13 =	vgt.f32 v19, v6  }
0x124: {  	v51 =	vadd.s32 v3, v46;
	v49 =	vld [tilespmem:$0x107E0];
	v5 =	vadd.f32 v17, v5;
	v6 =	vsel vm13, v19, v6  }
0x125: {  	v50 =	vmul.f32 v27, v27;
	v4 =	vsel vm14, v21, v4;
	vm14 =	vgt.f32 v18, v6  }
0x126: {  	v12 =	vld.idx.msk [tilespmem:v45+s2+$0x0], $0xffff;
	v53 =	vmul.f32 v24, v24;
	v5 =	vadd.f32 v8, v5;
	v6 =	vsel vm14, v18, v6  }
0x127: {  	v54 =	vadd.s32 v3, v47;
	v4 =	vsel vm15, v22, v4;
	vm15 =	vgt.f32 v50, v6  }
0x128: {  	v55 =	vld.idx.msk [tilespmem:v48+s2+$0x0], $0xffff;
	v58 =	vadd.s32 v3, v52;
	v5 =	vadd.f32 v7, v5;
	v6 =	vsel vm15, v50, v6  }
0x129: {  	v16 =	vmul.f32 v16, v16;
	v56 =	vadd.s32 v3, v49;
	vm8 =	vgt.f32 v53, v6  }
0x12a: {  	v57 =	vld.idx.msk [tilespmem:v51+s2+$0x0], $0xffff;
	v4 =	vsel vm9, v26, v4;
	v5 =	vadd.f32 v41, v5;
	v6 =	vsel vm8, v53, v6  }
0x12b: {  	v12 =	vmul.f32 v12, v12;
	v4 =	vsel vm10, v32, v4;
	vm9 =	vgt.f32 v16, v6  }
0x12c: {  	v59 =	vld.idx.msk [tilespmem:v54+s2+$0x0], $0xffff;
	v4 =	vsel vm11, v23, v4;
	v5 =	vadd.f32 v20, v5;
	v6 =	vsel vm9, v16, v6  }
0x12d: {  	v7 =	vmul.f32 v55, v55;
	v4 =	vsel vm12, v10, v4;
	vm10 =	vgt.f32 v12, v6  }
0x12e: {  	v60 =	vld.idx.msk [tilespmem:v56+s2+$0x0], $0xffff;
	v4 =	vsel vm13, v11, v4;
	v5 =	vadd.f32 v19, v5;
	v6 =	vsel vm10, v12, v6  }
0x12f: {  	v9 =	vmul.f32 v57, v57;
	v4 =	vsel vm14, v34, v4;
	vm11 =	vgt.f32 v7, v6  }
0x130: {  	v61 =	vld.idx.msk [tilespmem:v58+s2+$0x0], $0xffff;
	v5 =	vadd.f32 v18, v5;
	v4 =	vsel vm15, v28, v4;
	v6 =	vsel vm11, v7, v6  }
0x131: {  	v62 =	vmul.f32 v59, v59;
	v4 =	vsel vm8, v33, v4;
	vm12 =	vgt.f32 v9, v6  }
0x132: {  	v5 =	vadd.f32 v50, v5;
	v4 =	vsel vm9, v35, v4;
	v6 =	vsel vm12, v9, v6  }
0x133: {  	v10 =	vmul.f32 v60, v60;
	v4 =	vsel vm10, v38, v4;
	vm13 =	vgt.f32 v62, v6  }
0x134: {  	v5 =	vadd.f32 v53, v5;
	v4 =	vsel vm11, v44, v4;
	v6 =	vsel vm13, v62, v6  }
0x135: {  	v11 =	vmul.f32 v61, v61;
	v4 =	vsel vm12, v46, v4;
	vm14 =	vgt.f32 v10, v6  }
0x136: {  	v5 =	vadd.f32 v16, v5;
	v4 =	vsel vm13, v47, v4;
	v6 =	vsel vm14, v10, v6  }
0x137: {  	v4 =	vsel vm14, v49, v4;
	vm15 =	vgt.f32 v11, v6  }
0x138: {  	v5 =	vadd.f32 v12, v5;
	v4 =	vsel vm15, v52, v4  }
0x139: {  	v3 =	vadd.s32 v3, v4  }
0x13a: {  	v5 =	vadd.f32 v7, v5;
	_ =	sdelay $0x1  }
0x13b: {  	v5 =	vadd.f32 v9, v5;
	_ =	sdelay $0x1  }
0x13c: {  	v5 =	vadd.f32 v62, v5;
	v3 =	vld.idx.msk [tilespmem:v3+s2+$0x0], $0xffff;
	_ =	sdelay $0x1  }
0x13d: {  	v5 =	vadd.f32 v10, v5;
	_ =	sdelay $0x1  }
0x13e: {  	v5 =	vadd.f32 v11, v5  }
0x13f: {  	v63 =	vand.u32 $0x7FFFFFFF, v3  }
0x140: {  	p0 =	seq.s32 s18, $0xF0;
	v5 =	vadd.f32 $1.000000000e+00, v5;
	v6 =	vadd.f32 v63, v63  }
.Ltmp1:
0x141: {  	_ = 	snop;
	(pc) =	sbr.rel @!p0 .LBB2_6-.Ltmp1, $4  }
0x142: {  	v3 =	vshrl.u32 v3, $0x1;
	v5 =	vsub.f32 v5, v6  }
0x143: {  	v4 =	vshll.u32 v4, $0x1;
	v3 =	vshrl.u32 v3, $0x1E  }
0x144: {  	v3 =	vor.u32 v3, v4;
	[tilespmem:s17+$0x0] =	vst v5  }
0x145: {  	s18 =	sadd.s32 $0x10, s18;
	s17 =	sadd.s32 $0x10, s17;
	[tilespmem:s16+$0x0] =	vst v3;
	s16 =	sadd.s32 $0x10, s16  }
0x146: {  	p0 =	seq.s32 s15, $0x4  }
.Ltmp2:
0x147: {  	_ = 	snop;
	(pc) =	sbr.rel @!p0 .LBB2_5-.Ltmp2, $2  }
0x148: {  	_ =	sdelay $0x2  }
0x149: {  	s13 =	sadd.s32 $0x100, s13;
	s14 =	sadd.s32 $0x100, s14  }
0x14a: {  	[hbm4b:s4+s7] =	stream.strided.scatter [tilespmem:s9], [sflag:$0x3], $0x400, s8, s7, $0x38;
	[tilespmem:$0x11000] =	vst v63  }
0x14b: {  	s12 =	sadd.s32 $0x1, s12;
	_ =	swait.ge [sflag:s10], $0x400  }
0x14c: {  	p0 =	sne.s32 s12, s6;
	[sflag:s10] =	ssyncset.done $0x0  }
.Ltmp3:
0x14d: {  	[sflag:s10] =	ssyncadd.s32 $0xFFFFFC00;
	(pc) =	sbr.rel @p0 .LBB2_1-.Ltmp3, $4  }
0x14e: {  	[hbm4b:s5+s7] =	stream.strided.scatter [tilespmem:s11], [sflag:$0x3], $0x400, s8, s7, $0x38;
	[tilespmem:$0x11000] =	vst v63  }
0x14f: {  	_ =	swait.ge [sflag:s10], $0x400  }
0x150: {  	[sflag:s10] =	ssyncset.done $0x0  }
0x151: {  	[sflag:s10] =	ssyncadd.s32 $0xFFFFFC00  }
0x152: {  	_ =	sfence.sel $0x180000  }
0x153: {  	[bflag:$0x0] =	sbarrier.arrive $0xFFFF  }
0x154: {  	p0 =	sne.s32 s1, $0x0;
	_ =	strace $0x90000047  }
0x155: {  	s0 =	sadd.s32 @!p0 $0x100000, s0;
	[bflag:$0x2] =	sbarrier.arrive $0xFFFF  }
0x156: {  	[sflag:s0] =	ssyncadd.tile.s32 @!p0 $0x1;
	_ =	shalt  }
.Lfunc_end2:
_tile_overlayer_lowered:
.L_overlay_start_2:
0x157: {  	(tag) =	ssettag $0x2  }
0x158: {  	s0 =	rddreg [dreg:$0x0];
	s2 =	stileid.u32  }
0x159: {  	s1 =	rddreg [dreg:$0x1];
	p0 =	sne.s32 s2, $0x0  }
0x15a: {  	s3 =	rddreg [dreg:$0x2];
	[bflag:$0x3] =	sbarrier.arrive $0xFFFF;
	s2 =	simm.s32 @!p0 $0x1C03  }
0x15b: {  	[timem:s3], [sflag:s2] =	dma.local @!p0 [hbm:s0], s1  }
0x15c: {  	s0 =	simm.s32 @!p0 $0x3  }
0x15d: {  	_ =	swait.ge @!p0 [sflag:s0], s1  }
0x15e: {  	s1 =	ssub.s32 @!p0 $0x0, s1;
	[sflag:s0] =	ssyncset.done @!p0 $0x0  }
0x15f: {  	[sflag:s0] =	ssyncadd.s32 @!p0 s1  }
0x160: {  	[bflag:$0x3] =	sbarrier.arrive $0xFFFF  }
0x161: {  	_ =	shalt  }

</sc_bundles>
